<compile_context>
chip_gen: v7x
topology: tpu7x:2x2x1
jax: 0.10.2.dev20260603
libtpu: 0.0.44.dev20260713+nightly
codegen_flags: <defaults>
</compile_context>

<pallas_src>
import functools
import math

import jax
import jax.numpy as jnp
import numpy as np
from jax import lax
from jax.experimental import pallas as pl
from jax.experimental.pallas import tpu as pltpu
from jax.experimental.pallas import tpu_sc as plsc

_NUM_BUCKETS = 32
_NUM_HEADS = 16
_LQ = 2048
_LK = 2048
_MAX_DIST = 128
_SHIFTS = 8
_TBL = 4096
_HALF = _LQ // 2


def _bucket_table() -> np.ndarray:
    d = np.arange(-(_LQ - 1), _LK, dtype=np.int32)
    rel_buckets = (d > 0).astype(np.int32) * (_NUM_BUCKETS // 2)
    rp = np.abs(d)
    max_exact = _NUM_BUCKETS // 4
    safe_rp = np.maximum(rp.astype(np.float32), np.float32(1e-9))
    large = max_exact + (
        np.log(safe_rp / max_exact)
        / math.log(_MAX_DIST / max_exact)
        * (_NUM_BUCKETS // 2 - max_exact)
    ).astype(np.int32)
    large = np.minimum(large, _NUM_BUCKETS // 2 - 1)
    return rel_buckets + np.where(rp < max_exact, rp, large)


def _shifted_index_table() -> np.ndarray:
    bucket = _bucket_table()
    u = np.arange(_TBL)
    out = np.empty((_SHIFTS, _TBL), dtype=np.int32)
    for k in range(_SHIFTS):
        dd = np.minimum(u + k, _LQ + _LK - 2)
        out[_SHIFTS - 1 - k] = bucket[dd]
    return out.reshape(-1)


_IDX_CONST = _shifted_index_table()


@functools.lru_cache(maxsize=1)
def _build_fill_kernel():
    mesh = plsc.VectorSubcoreMesh(core_axis_name="c", subcore_axis_name="s")
    return functools.partial(
        pl.kernel,
        out_type=jax.ShapeDtypeStruct((_NUM_HEADS * _LQ, _LK), jnp.float32),
        mesh=mesh,
        scratch_types=[
            pltpu.VMEM((_NUM_HEADS * _NUM_BUCKETS,), jnp.float32),
            pltpu.VMEM((_SHIFTS * _TBL,), jnp.float32),
            pltpu.VMEM((8, _LK), jnp.float32),
            pltpu.VMEM((8, _LK), jnp.float32),
            pltpu.VMEM((8, _LK), jnp.float32),
            pltpu.VMEM((8, _LK), jnp.float32),
            pltpu.SemaphoreType.DMA,
        ],
        compiler_params=pltpu.CompilerParams(needs_layout_passes=False),
    )(_t5_bias_fill)


def _t5_bias_fill(wt_hbm, idx_hbm, out_hbm, w_v, table_v, s0, s1, s2, s3, sem):
    head = lax.axis_index("s")
    half = lax.axis_index("c")
    pltpu.sync_copy(wt_hbm, w_v)
    pltpu.sync_copy(idx_hbm, table_v)
    hbase = head * _NUM_BUCKETS

    with jax.named_scope("tbl_build"):

        @plsc.parallel_loop(0, _SHIFTS * _TBL // 16)
        def _build(t):
            base = t * 16
            iv = plsc.bitcast(table_v[pl.ds(base, 16)], jnp.int32)
            table_v[pl.ds(base, 16)] = plsc.load_gather(w_v, [iv + hbase])

    i0 = half * _HALF
    row0 = head * _LQ + i0
    ring = (s0, s1, s2, s3)

    def _fill_stage(stg, w0):
        @plsc.parallel_loop(0, _LK // 16)
        def _cp(c):
            c16 = c * 16
            src = pl.multiple_of(w0 + c16, 8)
            vals = [table_v[pl.ds(r * _TBL + src, 16)] for r in range(8)]
            for r in range(8):
                stg[r, pl.ds(c16, 16)] = vals[r]

    def _stripe(stg, s_loc):
        _fill_stage(stg, (_LQ - 8) - i0 - s_loc * 8)
        pltpu.async_copy(stg, out_hbm.at[pl.ds(row0 + s_loc * 8, 8), :], sem)

    with jax.named_scope("row_fill"):
        for b in range(4):
            _stripe(ring[b], b)

        @pl.loop(1, _HALF // 8 // 4)
        def _fill(g):
            for b in range(4):
                pltpu.make_async_copy(out_hbm.at[pl.ds(0, 8), :], ring[b], sem).wait()
                _stripe(ring[b], g * 4 + b)

        for b in range(4):
            pltpu.make_async_copy(out_hbm.at[pl.ds(0, 8), :], ring[b], sem).wait()


def kernel(lq, lk, W):
    del lq, lk
    wt = W.astype(jnp.float32).T.reshape(-1)
    idx = lax.bitcast_convert_type(jnp.asarray(_IDX_CONST), jnp.float32)
    out = _build_fill_kernel()(wt, idx)
    return out.reshape(1, _NUM_HEADS, _LQ, _LK)

# --- scband reference (transcript-rebuilt; emitter-appended) ---
"""Pipeline reference for scband-t5-relative-embedding-3736621547834 (READ-ONLY COPY).

The authoritative reference and input builder live on the scoring server;
editing this copy changes nothing except your own understanding.
"""

import jax, jax.numpy as jnp
import numpy as np
import math

NUM_BUCKETS = 32
NUM_HEADS = 16
BIDIRECTIONAL = True
MAX_DIST = 128
SEQ_LQ = 2048
SEQ_LK = 2048


def _relative_position_bucket(rel_pos):
    if BIDIRECTIONAL:
        num_buckets = NUM_BUCKETS // 2
        rel_buckets = (rel_pos > 0).astype(jnp.int32) * num_buckets
        rel_pos = jnp.abs(rel_pos)
    else:
        num_buckets = NUM_BUCKETS
        rel_buckets = jnp.zeros_like(rel_pos)
        rel_pos = -jnp.minimum(rel_pos, jnp.zeros_like(rel_pos))
    max_exact = num_buckets // 2
    safe_rp = jnp.maximum(rel_pos.astype(jnp.float32), 1e-9)
    rel_pos_large = max_exact + (
        jnp.log(safe_rp / max_exact) / math.log(MAX_DIST / max_exact) * (num_buckets - max_exact)
    ).astype(jnp.int32)
    rel_pos_large = jnp.minimum(rel_pos_large, jnp.full_like(rel_pos_large, num_buckets - 1))
    rel_buckets = rel_buckets + jnp.where(rel_pos < max_exact, rel_pos, rel_pos_large)
    return rel_buckets


def setup_inputs(seed: int = 0) -> dict:
    key = jax.random.key(seed)
    W = jax.random.normal(key, (NUM_BUCKETS, NUM_HEADS), dtype=jnp.float32)
    return {"lq": 2048, "lk": 2048, "W": W}


def reference(lq, lk, W):
    dep_zero = (lq - lq) + (lk - lk)
    rel_pos = jnp.arange(SEQ_LK)[None, :] - jnp.arange(SEQ_LQ)[:, None] + dep_zero
    buckets = _relative_position_bucket(rel_pos)
    rel_pos_embeds = jnp.take(W, buckets, axis=0)  # [lq, lk, H] gather
    rel_pos_embeds = jnp.transpose(rel_pos_embeds, (2, 0, 1))[None]  # [1, H, lq, lk]
    return rel_pos_embeds

if __name__ == "__main__":
    import jax
    _d = setup_inputs()
    print(jax.jit(kernel)(*tuple(_d.values())))

</pallas_src>

<mosaic_0001>
#map = affine_map<(d0, d1) -> (0)>
#map1 = affine_map<(d0, d1) -> (0, 0)>
module attributes {stable_mosaic.version = 14 : i64} {
  func.func @_t5_bias_fill(%arg0: i32, %arg1: i32, %arg2: memref<512xf32, #tpu.memory_space<hbm>>, %arg3: memref<32768xf32, #tpu.memory_space<hbm>>, %arg4: memref<32768x2048xf32, #tpu.memory_space<hbm>>, %arg5: memref<512xf32, #tpu.memory_space<vmem>>, %arg6: memref<32768xf32, #tpu.memory_space<vmem>>, %arg7: memref<8x2048xf32, #tpu.memory_space<vmem>>, %arg8: memref<8x2048xf32, #tpu.memory_space<vmem>>, %arg9: memref<8x2048xf32, #tpu.memory_space<vmem>>, %arg10: memref<8x2048xf32, #tpu.memory_space<vmem>>, %arg11: memref<!tpu.dma_semaphore, #tpu.memory_space<semaphore_mem>>) attributes {dimension_semantics = [#tpu.dimension_semantics<core_parallel>, #tpu.dimension_semantics<subcore_parallel>], iteration_bounds = array<i64: 2, 16>, scalar_prefetch = 0 : i64, scratch_operands = 7 : i64, tpu.core_type = #tpu.core_type<sc_vector_subcore>, window_params = [{transform_indices = #map}, {transform_indices = #map}, {transform_indices = #map1}]} {
    "tpu.region"() ({
      %run_scoped3A = tpu.sem_alloc : memref<!tpu.dma_semaphore, #tpu.memory_space<semaphore_mem>>
      tpu.enqueue_dma source(%arg2 : memref<512xf32, #tpu.memory_space<hbm>>) target(%arg5 : memref<512xf32, #tpu.memory_space<vmem>>) target_semaphore(%run_scoped3A : memref<!tpu.dma_semaphore, #tpu.memory_space<semaphore_mem>>)
      tpu.wait_dma2 semaphore(%run_scoped3A : memref<!tpu.dma_semaphore, #tpu.memory_space<semaphore_mem>>) src(%arg2 : memref<512xf32, #tpu.memory_space<hbm>>) dst(%arg5 : memref<512xf32, #tpu.memory_space<vmem>>)
      tpu.yield
    }) : () -> ()
    "tpu.region"() ({
      %run_scoped3A = tpu.sem_alloc : memref<!tpu.dma_semaphore, #tpu.memory_space<semaphore_mem>>
      tpu.enqueue_dma source(%arg3 : memref<32768xf32, #tpu.memory_space<hbm>>) target(%arg6 : memref<32768xf32, #tpu.memory_space<vmem>>) target_semaphore(%run_scoped3A : memref<!tpu.dma_semaphore, #tpu.memory_space<semaphore_mem>>)
      tpu.wait_dma2 semaphore(%run_scoped3A : memref<!tpu.dma_semaphore, #tpu.memory_space<semaphore_mem>>) src(%arg3 : memref<32768xf32, #tpu.memory_space<hbm>>) dst(%arg6 : memref<32768xf32, #tpu.memory_space<vmem>>)
      tpu.yield
    }) : () -> ()
    %mul3A = arith.constant 32 : i32
    %mul3A_0 = arith.muli %arg1, %mul3A : i32
    %parallel_loop3A = arith.constant 0 : i32
    %parallel_loop3A_1 = arith.constant 2048 : i32
    %parallel_loop3A_2 = arith.constant 1 : i32
    "tpu.trace_start"() <{level = 10 : i32, message = "tbl_build"}> : () -> ()
    scf.for %parallel_loop3A_84 = %parallel_loop3A to %parallel_loop3A_1 step %parallel_loop3A_2  : i32 {
      %parallel_loop3A_85 = arith.constant 16 : i32
      %parallel_loop3A_86 = arith.muli %parallel_loop3A_84, %parallel_loop3A_85 : i32
      %parallel_loop3A_87 = arith.index_cast %parallel_loop3A_86 : i32 to index
      %parallel_loop3A_88 = tpu.vector_load %arg6[%parallel_loop3A_87] {strides = array<i32>} : memref<32768xf32, #tpu.memory_space<vmem>>, vector<16xf32>,
      %parallel_loop3A_89 = vector.bitcast %parallel_loop3A_88 : vector<16xf32> to vector<16xi32>
      %parallel_loop3A_90 = vector.broadcast %mul3A_0 : i32 to vector<16xi32>
      %parallel_loop3A_91 = arith.addi %parallel_loop3A_89, %parallel_loop3A_90 : vector<16xi32>
      %parallel_loop3A_92 = tpu.vector_load_idx %arg5[%parallel_loop3A_91] : memref<512xf32, #tpu.memory_space<vmem>>[vector<16xi32>], vector<16xf32>,
      %parallel_loop3A_93 = arith.index_cast %parallel_loop3A_86 : i32 to index
      %parallel_loop3A_94 = tpu.vector_load %arg6[%parallel_loop3A_93] {strides = array<i32>} : memref<32768xf32, #tpu.memory_space<vmem>>, vector<16xf32>,
      tpu.vector_store %arg6[%parallel_loop3A_93], %parallel_loop3A_92 {strides = array<i32>} : memref<32768xf32, #tpu.memory_space<vmem>>, vector<16xf32>,
    } {sc.loop_unroll_factor = 1 : i64, sc.parallel_access}
    "tpu.trace_stop"() : () -> ()
    %mul3A_3 = arith.constant 1024 : i32
    %mul3A_4 = arith.muli %arg0, %mul3A_3 : i32
    %mul3A_5 = arith.constant 2048 : i32
    %mul3A_6 = arith.muli %arg1, %mul3A_5 : i32
    %add3A = arith.addi %mul3A_6, %mul3A_4 : i32
    "tpu.trace_start"() <{level = 10 : i32, message = "row_fill"}> : () -> ()
    %sub3A = arith.constant 2040 : i32
    %sub3A_7 = arith.subi %sub3A, %mul3A_4 : i32
    %sub3A_8 = arith.constant 0 : i32
    %sub3A_9 = arith.subi %sub3A_7, %sub3A_8 : i32
    %parallel_loop3A_10 = arith.constant 0 : i32
    %parallel_loop3A_11 = arith.constant 128 : i32
    %parallel_loop3A_12 = arith.constant 1 : i32
    scf.for %parallel_loop3A_84 = %parallel_loop3A_10 to %parallel_loop3A_11 step %parallel_loop3A_12  : i32 {
      %parallel_loop3A_85 = arith.constant 16 : i32
      %parallel_loop3A_86 = arith.muli %parallel_loop3A_84, %parallel_loop3A_85 : i32
      %parallel_loop3A_87 = arith.addi %sub3A_9, %parallel_loop3A_86 : i32
      %parallel_loop3A_88 = tpu.assume_multiple %parallel_loop3A_87, 8 : i32
      %parallel_loop3A_89 = arith.constant 0 : i32
      %parallel_loop3A_90 = arith.addi %parallel_loop3A_89, %parallel_loop3A_88 : i32
      %parallel_loop3A_91 = arith.index_cast %parallel_loop3A_90 : i32 to index
      %parallel_loop3A_92 = tpu.vector_load %arg6[%parallel_loop3A_91] {strides = array<i32>} : memref<32768xf32, #tpu.memory_space<vmem>>, vector<16xf32>,
      %parallel_loop3A_93 = arith.constant 4096 : i32
      %parallel_loop3A_94 = arith.addi %parallel_loop3A_93, %parallel_loop3A_88 : i32
      %parallel_loop3A_95 = arith.index_cast %parallel_loop3A_94 : i32 to index
      %parallel_loop3A_96 = tpu.vector_load %arg6[%parallel_loop3A_95] {strides = array<i32>} : memref<32768xf32, #tpu.memory_space<vmem>>, vector<16xf32>,
      %parallel_loop3A_97 = arith.constant 8192 : i32
      %parallel_loop3A_98 = arith.addi %parallel_loop3A_97, %parallel_loop3A_88 : i32
      %parallel_loop3A_99 = arith.index_cast %parallel_loop3A_98 : i32 to index
      %parallel_loop3A_100 = tpu.vector_load %arg6[%parallel_loop3A_99] {strides = array<i32>} : memref<32768xf32, #tpu.memory_space<vmem>>, vector<16xf32>,
      %parallel_loop3A_101 = arith.constant 12288 : i32
      %parallel_loop3A_102 = arith.addi %parallel_loop3A_101, %parallel_loop3A_88 : i32
      %parallel_loop3A_103 = arith.index_cast %parallel_loop3A_102 : i32 to index
      %parallel_loop3A_104 = tpu.vector_load %arg6[%parallel_loop3A_103] {strides = array<i32>} : memref<32768xf32, #tpu.memory_space<vmem>>, vector<16xf32>,
      %parallel_loop3A_105 = arith.constant 16384 : i32
      %parallel_loop3A_106 = arith.addi %parallel_loop3A_105, %parallel_loop3A_88 : i32
      %parallel_loop3A_107 = arith.index_cast %parallel_loop3A_106 : i32 to index
      %parallel_loop3A_108 = tpu.vector_load %arg6[%parallel_loop3A_107] {strides = array<i32>} : memref<32768xf32, #tpu.memory_space<vmem>>, vector<16xf32>,
      %parallel_loop3A_109 = arith.constant 20480 : i32
      %parallel_loop3A_110 = arith.addi %parallel_loop3A_109, %parallel_loop3A_88 : i32
      %parallel_loop3A_111 = arith.index_cast %parallel_loop3A_110 : i32 to index
      %parallel_loop3A_112 = tpu.vector_load %arg6[%parallel_loop3A_111] {strides = array<i32>} : memref<32768xf32, #tpu.memory_space<vmem>>, vector<16xf32>,
      %parallel_loop3A_113 = arith.constant 24576 : i32
      %parallel_loop3A_114 = arith.addi %parallel_loop3A_113, %parallel_loop3A_88 : i32
      %parallel_loop3A_115 = arith.index_cast %parallel_loop3A_114 : i32 to index
      %parallel_loop3A_116 = tpu.vector_load %arg6[%parallel_loop3A_115] {strides = array<i32>} : memref<32768xf32, #tpu.memory_space<vmem>>, vector<16xf32>,
      %parallel_loop3A_117 = arith.constant 28672 : i32
      %parallel_loop3A_118 = arith.addi %parallel_loop3A_117, %parallel_loop3A_88 : i32
      %parallel_loop3A_119 = arith.index_cast %parallel_loop3A_118 : i32 to index
      %parallel_loop3A_120 = tpu.vector_load %arg6[%parallel_loop3A_119] {strides = array<i32>} : memref<32768xf32, #tpu.memory_space<vmem>>, vector<16xf32>,
      %parallel_loop3A_121 = arith.constant 0 : i32
      %parallel_loop3A_122 = arith.index_cast %parallel_loop3A_121 : i32 to index
      %parallel_loop3A_123 = arith.index_cast %parallel_loop3A_86 : i32 to index
      %parallel_loop3A_124 = tpu.vector_load %arg7[%parallel_loop3A_122, %parallel_loop3A_123] {strides = array<i32>} : memref<8x2048xf32, #tpu.memory_space<vmem>>, vector<16xf32>,
      tpu.vector_store %arg7[%parallel_loop3A_122, %parallel_loop3A_123], %parallel_loop3A_92 {strides = array<i32>} : memref<8x2048xf32, #tpu.memory_space<vmem>>, vector<16xf32>,
      %parallel_loop3A_125 = arith.constant 1 : i32
      %parallel_loop3A_126 = arith.index_cast %parallel_loop3A_125 : i32 to index
      %parallel_loop3A_127 = arith.index_cast %parallel_loop3A_86 : i32 to index
      %parallel_loop3A_128 = tpu.vector_load %arg7[%parallel_loop3A_126, %parallel_loop3A_127] {strides = array<i32>} : memref<8x2048xf32, #tpu.memory_space<vmem>>, vector<16xf32>,
      tpu.vector_store %arg7[%parallel_loop3A_126, %parallel_loop3A_127], %parallel_loop3A_96 {strides = array<i32>} : memref<8x2048xf32, #tpu.memory_space<vmem>>, vector<16xf32>,
      %parallel_loop3A_129 = arith.constant 2 : i32
      %parallel_loop3A_130 = arith.index_cast %parallel_loop3A_129 : i32 to index
      %parallel_loop3A_131 = arith.index_cast %parallel_loop3A_86 : i32 to index
      %parallel_loop3A_132 = tpu.vector_load %arg7[%parallel_loop3A_130, %parallel_loop3A_131] {strides = array<i32>} : memref<8x2048xf32, #tpu.memory_space<vmem>>, vector<16xf32>,
      tpu.vector_store %arg7[%parallel_loop3A_130, %parallel_loop3A_131], %parallel_loop3A_100 {strides = array<i32>} : memref<8x2048xf32, #tpu.memory_space<vmem>>, vector<16xf32>,
      %parallel_loop3A_133 = arith.constant 3 : i32
      %parallel_loop3A_134 = arith.index_cast %parallel_loop3A_133 : i32 to index
      %parallel_loop3A_135 = arith.index_cast %parallel_loop3A_86 : i32 to index
      %parallel_loop3A_136 = tpu.vector_load %arg7[%parallel_loop3A_134, %parallel_loop3A_135] {strides = array<i32>} : memref<8x2048xf32, #tpu.memory_space<vmem>>, vector<16xf32>,
      tpu.vector_store %arg7[%parallel_loop3A_134, %parallel_loop3A_135], %parallel_loop3A_104 {strides = array<i32>} : memref<8x2048xf32, #tpu.memory_space<vmem>>, vector<16xf32>,
      %parallel_loop3A_137 = arith.constant 4 : i32
      %parallel_loop3A_138 = arith.index_cast %parallel_loop3A_137 : i32 to index
      %parallel_loop3A_139 = arith.index_cast %parallel_loop3A_86 : i32 to index
      %parallel_loop3A_140 = tpu.vector_load %arg7[%parallel_loop3A_138, %parallel_loop3A_139] {strides = array<i32>} : memref<8x2048xf32, #tpu.memory_space<vmem>>, vector<16xf32>,
      tpu.vector_store %arg7[%parallel_loop3A_138, %parallel_loop3A_139], %parallel_loop3A_108 {strides = array<i32>} : memref<8x2048xf32, #tpu.memory_space<vmem>>, vector<16xf32>,
      %parallel_loop3A_141 = arith.constant 5 : i32
      %parallel_loop3A_142 = arith.index_cast %parallel_loop3A_141 : i32 to index
      %parallel_loop3A_143 = arith.index_cast %parallel_loop3A_86 : i32 to index
      %parallel_loop3A_144 = tpu.vector_load %arg7[%parallel_loop3A_142, %parallel_loop3A_143] {strides = array<i32>} : memref<8x2048xf32, #tpu.memory_space<vmem>>, vector<16xf32>,
      tpu.vector_store %arg7[%parallel_loop3A_142, %parallel_loop3A_143], %parallel_loop3A_112 {strides = array<i32>} : memref<8x2048xf32, #tpu.memory_space<vmem>>, vector<16xf32>,
      %parallel_loop3A_145 = arith.constant 6 : i32
      %parallel_loop3A_146 = arith.index_cast %parallel_loop3A_145 : i32 to index
      %parallel_loop3A_147 = arith.index_cast %parallel_loop3A_86 : i32 to index
      %parallel_loop3A_148 = tpu.vector_load %arg7[%parallel_loop3A_146, %parallel_loop3A_147] {strides = array<i32>} : memref<8x2048xf32, #tpu.memory_space<vmem>>, vector<16xf32>,
      tpu.vector_store %arg7[%parallel_loop3A_146, %parallel_loop3A_147], %parallel_loop3A_116 {strides = array<i32>} : memref<8x2048xf32, #tpu.memory_space<vmem>>, vector<16xf32>,
      %parallel_loop3A_149 = arith.constant 7 : i32
      %parallel_loop3A_150 = arith.index_cast %parallel_loop3A_149 : i32 to index
      %parallel_loop3A_151 = arith.index_cast %parallel_loop3A_86 : i32 to index
      %parallel_loop3A_152 = tpu.vector_load %arg7[%parallel_loop3A_150, %parallel_loop3A_151] {strides = array<i32>} : memref<8x2048xf32, #tpu.memory_space<vmem>>, vector<16xf32>,
      tpu.vector_store %arg7[%parallel_loop3A_150, %parallel_loop3A_151], %parallel_loop3A_120 {strides = array<i32>} : memref<8x2048xf32, #tpu.memory_space<vmem>>, vector<16xf32>,
    } {sc.loop_unroll_factor = 1 : i64, sc.parallel_access}
    %add3A_13 = arith.constant 0 : i32
    %add3A_14 = arith.addi %add3A, %add3A_13 : i32
    %dma_start3A = arith.constant 0 : i32
    %dma_start3A_15 = tpu.memref_slice %arg4[%add3A_14, %dma_start3A] : memref<32768x2048xf32, #tpu.memory_space<hbm>> -> memref<8x2048xf32, #tpu.memory_space<hbm>>
    %dma_start3A_16 = arith.constant 0 : i32
    %dma_start3A_17 = tpu.memref_slice %arg4[%add3A_14, %dma_start3A_16] : memref<32768x2048xf32, #tpu.memory_space<hbm>> -> memref<8x2048xf32, #tpu.memory_space<hbm>>
    tpu.enqueue_dma source(%arg7 : memref<8x2048xf32, #tpu.memory_space<vmem>>) target(%dma_start3A_17 : memref<8x2048xf32, #tpu.memory_space<hbm>>) target_semaphore(%arg11 : memref<!tpu.dma_semaphore, #tpu.memory_space<semaphore_mem>>)
    %sub3A_18 = arith.constant 2040 : i32
    %sub3A_19 = arith.subi %sub3A_18, %mul3A_4 : i32
    %sub3A_20 = arith.constant 8 : i32
    %sub3A_21 = arith.subi %sub3A_19, %sub3A_20 : i32
    %parallel_loop3A_22 = arith.constant 0 : i32
    %parallel_loop3A_23 = arith.constant 128 : i32
    %parallel_loop3A_24 = arith.constant 1 : i32
    scf.for %parallel_loop3A_84 = %parallel_loop3A_22 to %parallel_loop3A_23 step %parallel_loop3A_24  : i32 {
      %parallel_loop3A_85 = arith.constant 16 : i32
      %parallel_loop3A_86 = arith.muli %parallel_loop3A_84, %parallel_loop3A_85 : i32
      %parallel_loop3A_87 = arith.addi %sub3A_21, %parallel_loop3A_86 : i32
      %parallel_loop3A_88 = tpu.assume_multiple %parallel_loop3A_87, 8 : i32
      %parallel_loop3A_89 = arith.constant 0 : i32
      %parallel_loop3A_90 = arith.addi %parallel_loop3A_89, %parallel_loop3A_88 : i32
      %parallel_loop3A_91 = arith.index_cast %parallel_loop3A_90 : i32 to index
      %parallel_loop3A_92 = tpu.vector_load %arg6[%parallel_loop3A_91] {strides = array<i32>} : memref<32768xf32, #tpu.memory_space<vmem>>, vector<16xf32>,
      %parallel_loop3A_93 = arith.constant 4096 : i32
      %parallel_loop3A_94 = arith.addi %parallel_loop3A_93, %parallel_loop3A_88 : i32
      %parallel_loop3A_95 = arith.index_cast %parallel_loop3A_94 : i32 to index
      %parallel_loop3A_96 = tpu.vector_load %arg6[%parallel_loop3A_95] {strides = array<i32>} : memref<32768xf32, #tpu.memory_space<vmem>>, vector<16xf32>,
      %parallel_loop3A_97 = arith.constant 8192 : i32
      %parallel_loop3A_98 = arith.addi %parallel_loop3A_97, %parallel_loop3A_88 : i32
      %parallel_loop3A_99 = arith.index_cast %parallel_loop3A_98 : i32 to index
      %parallel_loop3A_100 = tpu.vector_load %arg6[%parallel_loop3A_99] {strides = array<i32>} : memref<32768xf32, #tpu.memory_space<vmem>>, vector<16xf32>,
      %parallel_loop3A_101 = arith.constant 12288 : i32
      %parallel_loop3A_102 = arith.addi %parallel_loop3A_101, %parallel_loop3A_88 : i32
      %parallel_loop3A_103 = arith.index_cast %parallel_loop3A_102 : i32 to index
      %parallel_loop3A_104 = tpu.vector_load %arg6[%parallel_loop3A_103] {strides = array<i32>} : memref<32768xf32, #tpu.memory_space<vmem>>, vector<16xf32>,
      %parallel_loop3A_105 = arith.constant 16384 : i32
      %parallel_loop3A_106 = arith.addi %parallel_loop3A_105, %parallel_loop3A_88 : i32
      %parallel_loop3A_107 = arith.index_cast %parallel_loop3A_106 : i32 to index
      %parallel_loop3A_108 = tpu.vector_load %arg6[%parallel_loop3A_107] {strides = array<i32>} : memref<32768xf32, #tpu.memory_space<vmem>>, vector<16xf32>,
      %parallel_loop3A_109 = arith.constant 20480 : i32
      %parallel_loop3A_110 = arith.addi %parallel_loop3A_109, %parallel_loop3A_88 : i32
      %parallel_loop3A_111 = arith.index_cast %parallel_loop3A_110 : i32 to index
      %parallel_loop3A_112 = tpu.vector_load %arg6[%parallel_loop3A_111] {strides = array<i32>} : memref<32768xf32, #tpu.memory_space<vmem>>, vector<16xf32>,
      %parallel_loop3A_113 = arith.constant 24576 : i32
      %parallel_loop3A_114 = arith.addi %parallel_loop3A_113, %parallel_loop3A_88 : i32
      %parallel_loop3A_115 = arith.index_cast %parallel_loop3A_114 : i32 to index
      %parallel_loop3A_116 = tpu.vector_load %arg6[%parallel_loop3A_115] {strides = array<i32>} : memref<32768xf32, #tpu.memory_space<vmem>>, vector<16xf32>,
      %parallel_loop3A_117 = arith.constant 28672 : i32
      %parallel_loop3A_118 = arith.addi %parallel_loop3A_117, %parallel_loop3A_88 : i32
      %parallel_loop3A_119 = arith.index_cast %parallel_loop3A_118 : i32 to index
      %parallel_loop3A_120 = tpu.vector_load %arg6[%parallel_loop3A_119] {strides = array<i32>} : memref<32768xf32, #tpu.memory_space<vmem>>, vector<16xf32>,
      %parallel_loop3A_121 = arith.constant 0 : i32
      %parallel_loop3A_122 = arith.index_cast %parallel_loop3A_121 : i32 to index
      %parallel_loop3A_123 = arith.index_cast %parallel_loop3A_86 : i32 to index
      %parallel_loop3A_124 = tpu.vector_load %arg8[%parallel_loop3A_122, %parallel_loop3A_123] {strides = array<i32>} : memref<8x2048xf32, #tpu.memory_space<vmem>>, vector<16xf32>,
      tpu.vector_store %arg8[%parallel_loop3A_122, %parallel_loop3A_123], %parallel_loop3A_92 {strides = array<i32>} : memref<8x2048xf32, #tpu.memory_space<vmem>>, vector<16xf32>,
      %parallel_loop3A_125 = arith.constant 1 : i32
      %parallel_loop3A_126 = arith.index_cast %parallel_loop3A_125 : i32 to index
      %parallel_loop3A_127 = arith.index_cast %parallel_loop3A_86 : i32 to index
      %parallel_loop3A_128 = tpu.vector_load %arg8[%parallel_loop3A_126, %parallel_loop3A_127] {strides = array<i32>} : memref<8x2048xf32, #tpu.memory_space<vmem>>, vector<16xf32>,
      tpu.vector_store %arg8[%parallel_loop3A_126, %parallel_loop3A_127], %parallel_loop3A_96 {strides = array<i32>} : memref<8x2048xf32, #tpu.memory_space<vmem>>, vector<16xf32>,
      %parallel_loop3A_129 = arith.constant 2 : i32
      %parallel_loop3A_130 = arith.index_cast %parallel_loop3A_129 : i32 to index
      %parallel_loop3A_131 = arith.index_cast %parallel_loop3A_86 : i32 to index
      %parallel_loop3A_132 = tpu.vector_load %arg8[%parallel_loop3A_130, %parallel_loop3A_131] {strides = array<i32>} : memref<8x2048xf32, #tpu.memory_space<vmem>>, vector<16xf32>,
      tpu.vector_store %arg8[%parallel_loop3A_130, %parallel_loop3A_131], %parallel_loop3A_100 {strides = array<i32>} : memref<8x2048xf32, #tpu.memory_space<vmem>>, vector<16xf32>,
      %parallel_loop3A_133 = arith.constant 3 : i32
      %parallel_loop3A_134 = arith.index_cast %parallel_loop3A_133 : i32 to index
      %parallel_loop3A_135 = arith.index_cast %parallel_loop3A_86 : i32 to index
      %parallel_loop3A_136 = tpu.vector_load %arg8[%parallel_loop3A_134, %parallel_loop3A_135] {strides = array<i32>} : memref<8x2048xf32, #tpu.memory_space<vmem>>, vector<16xf32>,
      tpu.vector_store %arg8[%parallel_loop3A_134, %parallel_loop3A_135], %parallel_loop3A_104 {strides = array<i32>} : memref<8x2048xf32, #tpu.memory_space<vmem>>, vector<16xf32>,
      %parallel_loop3A_137 = arith.constant 4 : i32
      %parallel_loop3A_138 = arith.index_cast %parallel_loop3A_137 : i32 to index
      %parallel_loop3A_139 = arith.index_cast %parallel_loop3A_86 : i32 to index
      %parallel_loop3A_140 = tpu.vector_load %arg8[%parallel_loop3A_138, %parallel_loop3A_139] {strides = array<i32>} : memref<8x2048xf32, #tpu.memory_space<vmem>>, vector<16xf32>,
      tpu.vector_store %arg8[%parallel_loop3A_138, %parallel_loop3A_139], %parallel_loop3A_108 {strides = array<i32>} : memref<8x2048xf32, #tpu.memory_space<vmem>>, vector<16xf32>,
      %parallel_loop3A_141 = arith.constant 5 : i32
      %parallel_loop3A_142 = arith.index_cast %parallel_loop3A_141 : i32 to index
      %parallel_loop3A_143 = arith.index_cast %parallel_loop3A_86 : i32 to index
      %parallel_loop3A_144 = tpu.vector_load %arg8[%parallel_loop3A_142, %parallel_loop3A_143] {strides = array<i32>} : memref<8x2048xf32, #tpu.memory_space<vmem>>, vector<16xf32>,
      tpu.vector_store %arg8[%parallel_loop3A_142, %parallel_loop3A_143], %parallel_loop3A_112 {strides = array<i32>} : memref<8x2048xf32, #tpu.memory_space<vmem>>, vector<16xf32>,
      %parallel_loop3A_145 = arith.constant 6 : i32
      %parallel_loop3A_146 = arith.index_cast %parallel_loop3A_145 : i32 to index
      %parallel_loop3A_147 = arith.index_cast %parallel_loop3A_86 : i32 to index
      %parallel_loop3A_148 = tpu.vector_load %arg8[%parallel_loop3A_146, %parallel_loop3A_147] {strides = array<i32>} : memref<8x2048xf32, #tpu.memory_space<vmem>>, vector<16xf32>,
      tpu.vector_store %arg8[%parallel_loop3A_146, %parallel_loop3A_147], %parallel_loop3A_116 {strides = array<i32>} : memref<8x2048xf32, #tpu.memory_space<vmem>>, vector<16xf32>,
      %parallel_loop3A_149 = arith.constant 7 : i32
      %parallel_loop3A_150 = arith.index_cast %parallel_loop3A_149 : i32 to index
      %parallel_loop3A_151 = arith.index_cast %parallel_loop3A_86 : i32 to index
      %parallel_loop3A_152 = tpu.vector_load %arg8[%parallel_loop3A_150, %parallel_loop3A_151] {strides = array<i32>} : memref<8x2048xf32, #tpu.memory_space<vmem>>, vector<16xf32>,
      tpu.vector_store %arg8[%parallel_loop3A_150, %parallel_loop3A_151], %parallel_loop3A_120 {strides = array<i32>} : memref<8x2048xf32, #tpu.memory_space<vmem>>, vector<16xf32>,
    } {sc.loop_unroll_factor = 1 : i64, sc.parallel_access}
    %add3A_25 = arith.constant 8 : i32
    %add3A_26 = arith.addi %add3A, %add3A_25 : i32
    %dma_start3A_27 = arith.constant 0 : i32
    %dma_start3A_28 = tpu.memref_slice %arg4[%add3A_26, %dma_start3A_27] : memref<32768x2048xf32, #tpu.memory_space<hbm>> -> memref<8x2048xf32, #tpu.memory_space<hbm>>
    %dma_start3A_29 = arith.constant 0 : i32
    %dma_start3A_30 = tpu.memref_slice %arg4[%add3A_26, %dma_start3A_29] : memref<32768x2048xf32, #tpu.memory_space<hbm>> -> memref<8x2048xf32, #tpu.memory_space<hbm>>
    tpu.enqueue_dma source(%arg8 : memref<8x2048xf32, #tpu.memory_space<vmem>>) target(%dma_start3A_30 : memref<8x2048xf32, #tpu.memory_space<hbm>>) target_semaphore(%arg11 : memref<!tpu.dma_semaphore, #tpu.memory_space<semaphore_mem>>)
    %sub3A_31 = arith.constant 2040 : i32
    %sub3A_32 = arith.subi %sub3A_31, %mul3A_4 : i32
    %sub3A_33 = arith.constant 16 : i32
    %sub3A_34 = arith.subi %sub3A_32, %sub3A_33 : i32
    %parallel_loop3A_35 = arith.constant 0 : i32
    %parallel_loop3A_36 = arith.constant 128 : i32
    %parallel_loop3A_37 = arith.constant 1 : i32
    scf.for %parallel_loop3A_84 = %parallel_loop3A_35 to %parallel_loop3A_36 step %parallel_loop3A_37  : i32 {
      %parallel_loop3A_85 = arith.constant 16 : i32
      %parallel_loop3A_86 = arith.muli %parallel_loop3A_84, %parallel_loop3A_85 : i32
      %parallel_loop3A_87 = arith.addi %sub3A_34, %parallel_loop3A_86 : i32
      %parallel_loop3A_88 = tpu.assume_multiple %parallel_loop3A_87, 8 : i32
      %parallel_loop3A_89 = arith.constant 0 : i32
      %parallel_loop3A_90 = arith.addi %parallel_loop3A_89, %parallel_loop3A_88 : i32
      %parallel_loop3A_91 = arith.index_cast %parallel_loop3A_90 : i32 to index
      %parallel_loop3A_92 = tpu.vector_load %arg6[%parallel_loop3A_91] {strides = array<i32>} : memref<32768xf32, #tpu.memory_space<vmem>>, vector<16xf32>,
      %parallel_loop3A_93 = arith.constant 4096 : i32
      %parallel_loop3A_94 = arith.addi %parallel_loop3A_93, %parallel_loop3A_88 : i32
      %parallel_loop3A_95 = arith.index_cast %parallel_loop3A_94 : i32 to index
      %parallel_loop3A_96 = tpu.vector_load %arg6[%parallel_loop3A_95] {strides = array<i32>} : memref<32768xf32, #tpu.memory_space<vmem>>, vector<16xf32>,
      %parallel_loop3A_97 = arith.constant 8192 : i32
      %parallel_loop3A_98 = arith.addi %parallel_loop3A_97, %parallel_loop3A_88 : i32
      %parallel_loop3A_99 = arith.index_cast %parallel_loop3A_98 : i32 to index
      %parallel_loop3A_100 = tpu.vector_load %arg6[%parallel_loop3A_99] {strides = array<i32>} : memref<32768xf32, #tpu.memory_space<vmem>>, vector<16xf32>,
      %parallel_loop3A_101 = arith.constant 12288 : i32
      %parallel_loop3A_102 = arith.addi %parallel_loop3A_101, %parallel_loop3A_88 : i32
      %parallel_loop3A_103 = arith.index_cast %parallel_loop3A_102 : i32 to index
      %parallel_loop3A_104 = tpu.vector_load %arg6[%parallel_loop3A_103] {strides = array<i32>} : memref<32768xf32, #tpu.memory_space<vmem>>, vector<16xf32>,
      %parallel_loop3A_105 = arith.constant 16384 : i32
      %parallel_loop3A_106 = arith.addi %parallel_loop3A_105, %parallel_loop3A_88 : i32
      %parallel_loop3A_107 = arith.index_cast %parallel_loop3A_106 : i32 to index
      %parallel_loop3A_108 = tpu.vector_load %arg6[%parallel_loop3A_107] {strides = array<i32>} : memref<32768xf32, #tpu.memory_space<vmem>>, vector<16xf32>,
      %parallel_loop3A_109 = arith.constant 20480 : i32
      %parallel_loop3A_110 = arith.addi %parallel_loop3A_109, %parallel_loop3A_88 : i32
      %parallel_loop3A_111 = arith.index_cast %parallel_loop3A_110 : i32 to index
      %parallel_loop3A_112 = tpu.vector_load %arg6[%parallel_loop3A_111] {strides = array<i32>} : memref<32768xf32, #tpu.memory_space<vmem>>, vector<16xf32>,
      %parallel_loop3A_113 = arith.constant 24576 : i32
      %parallel_loop3A_114 = arith.addi %parallel_loop3A_113, %parallel_loop3A_88 : i32
      %parallel_loop3A_115 = arith.index_cast %parallel_loop3A_114 : i32 to index
      %parallel_loop3A_116 = tpu.vector_load %arg6[%parallel_loop3A_115] {strides = array<i32>} : memref<32768xf32, #tpu.memory_space<vmem>>, vector<16xf32>,
      %parallel_loop3A_117 = arith.constant 28672 : i32
      %parallel_loop3A_118 = arith.addi %parallel_loop3A_117, %parallel_loop3A_88 : i32
      %parallel_loop3A_119 = arith.index_cast %parallel_loop3A_118 : i32 to index
      %parallel_loop3A_120 = tpu.vector_load %arg6[%parallel_loop3A_119] {strides = array<i32>} : memref<32768xf32, #tpu.memory_space<vmem>>, vector<16xf32>,
      %parallel_loop3A_121 = arith.constant 0 : i32
      %parallel_loop3A_122 = arith.index_cast %parallel_loop3A_121 : i32 to index
      %parallel_loop3A_123 = arith.index_cast %parallel_loop3A_86 : i32 to index
      %parallel_loop3A_124 = tpu.vector_load %arg9[%parallel_loop3A_122, %parallel_loop3A_123] {strides = array<i32>} : memref<8x2048xf32, #tpu.memory_space<vmem>>, vector<16xf32>,
      tpu.vector_store %arg9[%parallel_loop3A_122, %parallel_loop3A_123], %parallel_loop3A_92 {strides = array<i32>} : memref<8x2048xf32, #tpu.memory_space<vmem>>, vector<16xf32>,
      %parallel_loop3A_125 = arith.constant 1 : i32
      %parallel_loop3A_126 = arith.index_cast %parallel_loop3A_125 : i32 to index
      %parallel_loop3A_127 = arith.index_cast %parallel_loop3A_86 : i32 to index
      %parallel_loop3A_128 = tpu.vector_load %arg9[%parallel_loop3A_126, %parallel_loop3A_127] {strides = array<i32>} : memref<8x2048xf32, #tpu.memory_space<vmem>>, vector<16xf32>,
      tpu.vector_store %arg9[%parallel_loop3A_126, %parallel_loop3A_127], %parallel_loop3A_96 {strides = array<i32>} : memref<8x2048xf32, #tpu.memory_space<vmem>>, vector<16xf32>,
      %parallel_loop3A_129 = arith.constant 2 : i32
      %parallel_loop3A_130 = arith.index_cast %parallel_loop3A_129 : i32 to index
      %parallel_loop3A_131 = arith.index_cast %parallel_loop3A_86 : i32 to index
      %parallel_loop3A_132 = tpu.vector_load %arg9[%parallel_loop3A_130, %parallel_loop3A_131] {strides = array<i32>} : memref<8x2048xf32, #tpu.memory_space<vmem>>, vector<16xf32>,
      tpu.vector_store %arg9[%parallel_loop3A_130, %parallel_loop3A_131], %parallel_loop3A_100 {strides = array<i32>} : memref<8x2048xf32, #tpu.memory_space<vmem>>, vector<16xf32>,
      %parallel_loop3A_133 = arith.constant 3 : i32
      %parallel_loop3A_134 = arith.index_cast %parallel_loop3A_133 : i32 to index
      %parallel_loop3A_135 = arith.index_cast %parallel_loop3A_86 : i32 to index
      %parallel_loop3A_136 = tpu.vector_load %arg9[%parallel_loop3A_134, %parallel_loop3A_135] {strides = array<i32>} : memref<8x2048xf32, #tpu.memory_space<vmem>>, vector<16xf32>,
      tpu.vector_store %arg9[%parallel_loop3A_134, %parallel_loop3A_135], %parallel_loop3A_104 {strides = array<i32>} : memref<8x2048xf32, #tpu.memory_space<vmem>>, vector<16xf32>,
      %parallel_loop3A_137 = arith.constant 4 : i32
      %parallel_loop3A_138 = arith.index_cast %parallel_loop3A_137 : i32 to index
      %parallel_loop3A_139 = arith.index_cast %parallel_loop3A_86 : i32 to index
      %parallel_loop3A_140 = tpu.vector_load %arg9[%parallel_loop3A_138, %parallel_loop3A_139] {strides = array<i32>} : memref<8x2048xf32, #tpu.memory_space<vmem>>, vector<16xf32>,
      tpu.vector_store %arg9[%parallel_loop3A_138, %parallel_loop3A_139], %parallel_loop3A_108 {strides = array<i32>} : memref<8x2048xf32, #tpu.memory_space<vmem>>, vector<16xf32>,
      %parallel_loop3A_141 = arith.constant 5 : i32
      %parallel_loop3A_142 = arith.index_cast %parallel_loop3A_141 : i32 to index
      %parallel_loop3A_143 = arith.index_cast %parallel_loop3A_86 : i32 to index
      %parallel_loop3A_144 = tpu.vector_load %arg9[%parallel_loop3A_142, %parallel_loop3A_143] {strides = array<i32>} : memref<8x2048xf32, #tpu.memory_space<vmem>>, vector<16xf32>,
      tpu.vector_store %arg9[%parallel_loop3A_142, %parallel_loop3A_143], %parallel_loop3A_112 {strides = array<i32>} : memref<8x2048xf32, #tpu.memory_space<vmem>>, vector<16xf32>,
      %parallel_loop3A_145 = arith.constant 6 : i32
      %parallel_loop3A_146 = arith.index_cast %parallel_loop3A_145 : i32 to index
      %parallel_loop3A_147 = arith.index_cast %parallel_loop3A_86 : i32 to index
      %parallel_loop3A_148 = tpu.vector_load %arg9[%parallel_loop3A_146, %parallel_loop3A_147] {strides = array<i32>} : memref<8x2048xf32, #tpu.memory_space<vmem>>, vector<16xf32>,
      tpu.vector_store %arg9[%parallel_loop3A_146, %parallel_loop3A_147], %parallel_loop3A_116 {strides = array<i32>} : memref<8x2048xf32, #tpu.memory_space<vmem>>, vector<16xf32>,
      %parallel_loop3A_149 = arith.constant 7 : i32
      %parallel_loop3A_150 = arith.index_cast %parallel_loop3A_149 : i32 to index
      %parallel_loop3A_151 = arith.index_cast %parallel_loop3A_86 : i32 to index
      %parallel_loop3A_152 = tpu.vector_load %arg9[%parallel_loop3A_150, %parallel_loop3A_151] {strides = array<i32>} : memref<8x2048xf32, #tpu.memory_space<vmem>>, vector<16xf32>,
      tpu.vector_store %arg9[%parallel_loop3A_150, %parallel_loop3A_151], %parallel_loop3A_120 {strides = array<i32>} : memref<8x2048xf32, #tpu.memory_space<vmem>>, vector<16xf32>,
    } {sc.loop_unroll_factor = 1 : i64, sc.parallel_access}
    %add3A_38 = arith.constant 16 : i32
    %add3A_39 = arith.addi %add3A, %add3A_38 : i32
    %dma_start3A_40 = arith.constant 0 : i32
    %dma_start3A_41 = tpu.memref_slice %arg4[%add3A_39, %dma_start3A_40] : memref<32768x2048xf32, #tpu.memory_space<hbm>> -> memref<8x2048xf32, #tpu.memory_space<hbm>>
    %dma_start3A_42 = arith.constant 0 : i32
    %dma_start3A_43 = tpu.memref_slice %arg4[%add3A_39, %dma_start3A_42] : memref<32768x2048xf32, #tpu.memory_space<hbm>> -> memref<8x2048xf32, #tpu.memory_space<hbm>>
    tpu.enqueue_dma source(%arg9 : memref<8x2048xf32, #tpu.memory_space<vmem>>) target(%dma_start3A_43 : memref<8x2048xf32, #tpu.memory_space<hbm>>) target_semaphore(%arg11 : memref<!tpu.dma_semaphore, #tpu.memory_space<semaphore_mem>>)
    %sub3A_44 = arith.constant 2040 : i32
    %sub3A_45 = arith.subi %sub3A_44, %mul3A_4 : i32
    %sub3A_46 = arith.constant 24 : i32
    %sub3A_47 = arith.subi %sub3A_45, %sub3A_46 : i32
    %parallel_loop3A_48 = arith.constant 0 : i32
    %parallel_loop3A_49 = arith.constant 128 : i32
    %parallel_loop3A_50 = arith.constant 1 : i32
    scf.for %parallel_loop3A_84 = %parallel_loop3A_48 to %parallel_loop3A_49 step %parallel_loop3A_50  : i32 {
      %parallel_loop3A_85 = arith.constant 16 : i32
      %parallel_loop3A_86 = arith.muli %parallel_loop3A_84, %parallel_loop3A_85 : i32
      %parallel_loop3A_87 = arith.addi %sub3A_47, %parallel_loop3A_86 : i32
      %parallel_loop3A_88 = tpu.assume_multiple %parallel_loop3A_87, 8 : i32
      %parallel_loop3A_89 = arith.constant 0 : i32
      %parallel_loop3A_90 = arith.addi %parallel_loop3A_89, %parallel_loop3A_88 : i32
      %parallel_loop3A_91 = arith.index_cast %parallel_loop3A_90 : i32 to index
      %parallel_loop3A_92 = tpu.vector_load %arg6[%parallel_loop3A_91] {strides = array<i32>} : memref<32768xf32, #tpu.memory_space<vmem>>, vector<16xf32>,
      %parallel_loop3A_93 = arith.constant 4096 : i32
      %parallel_loop3A_94 = arith.addi %parallel_loop3A_93, %parallel_loop3A_88 : i32
      %parallel_loop3A_95 = arith.index_cast %parallel_loop3A_94 : i32 to index
      %parallel_loop3A_96 = tpu.vector_load %arg6[%parallel_loop3A_95] {strides = array<i32>} : memref<32768xf32, #tpu.memory_space<vmem>>, vector<16xf32>,
      %parallel_loop3A_97 = arith.constant 8192 : i32
      %parallel_loop3A_98 = arith.addi %parallel_loop3A_97, %parallel_loop3A_88 : i32
      %parallel_loop3A_99 = arith.index_cast %parallel_loop3A_98 : i32 to index
      %parallel_loop3A_100 = tpu.vector_load %arg6[%parallel_loop3A_99] {strides = array<i32>} : memref<32768xf32, #tpu.memory_space<vmem>>, vector<16xf32>,
      %parallel_loop3A_101 = arith.constant 12288 : i32
      %parallel_loop3A_102 = arith.addi %parallel_loop3A_101, %parallel_loop3A_88 : i32
      %parallel_loop3A_103 = arith.index_cast %parallel_loop3A_102 : i32 to index
      %parallel_loop3A_104 = tpu.vector_load %arg6[%parallel_loop3A_103] {strides = array<i32>} : memref<32768xf32, #tpu.memory_space<vmem>>, vector<16xf32>,
      %parallel_loop3A_105 = arith.constant 16384 : i32
      %parallel_loop3A_106 = arith.addi %parallel_loop3A_105, %parallel_loop3A_88 : i32
      %parallel_loop3A_107 = arith.index_cast %parallel_loop3A_106 : i32 to index
      %parallel_loop3A_108 = tpu.vector_load %arg6[%parallel_loop3A_107] {strides = array<i32>} : memref<32768xf32, #tpu.memory_space<vmem>>, vector<16xf32>,
      %parallel_loop3A_109 = arith.constant 20480 : i32
      %parallel_loop3A_110 = arith.addi %parallel_loop3A_109, %parallel_loop3A_88 : i32
      %parallel_loop3A_111 = arith.index_cast %parallel_loop3A_110 : i32 to index
      %parallel_loop3A_112 = tpu.vector_load %arg6[%parallel_loop3A_111] {strides = array<i32>} : memref<32768xf32, #tpu.memory_space<vmem>>, vector<16xf32>,
      %parallel_loop3A_113 = arith.constant 24576 : i32
      %parallel_loop3A_114 = arith.addi %parallel_loop3A_113, %parallel_loop3A_88 : i32
      %parallel_loop3A_115 = arith.index_cast %parallel_loop3A_114 : i32 to index
      %parallel_loop3A_116 = tpu.vector_load %arg6[%parallel_loop3A_115] {strides = array<i32>} : memref<32768xf32, #tpu.memory_space<vmem>>, vector<16xf32>,
      %parallel_loop3A_117 = arith.constant 28672 : i32
      %parallel_loop3A_118 = arith.addi %parallel_loop3A_117, %parallel_loop3A_88 : i32
      %parallel_loop3A_119 = arith.index_cast %parallel_loop3A_118 : i32 to index
      %parallel_loop3A_120 = tpu.vector_load %arg6[%parallel_loop3A_119] {strides = array<i32>} : memref<32768xf32, #tpu.memory_space<vmem>>, vector<16xf32>,
      %parallel_loop3A_121 = arith.constant 0 : i32
      %parallel_loop3A_122 = arith.index_cast %parallel_loop3A_121 : i32 to index
      %parallel_loop3A_123 = arith.index_cast %parallel_loop3A_86 : i32 to index
      %parallel_loop3A_124 = tpu.vector_load %arg10[%parallel_loop3A_122, %parallel_loop3A_123] {strides = array<i32>} : memref<8x2048xf32, #tpu.memory_space<vmem>>, vector<16xf32>,
      tpu.vector_store %arg10[%parallel_loop3A_122, %parallel_loop3A_123], %parallel_loop3A_92 {strides = array<i32>} : memref<8x2048xf32, #tpu.memory_space<vmem>>, vector<16xf32>,
      %parallel_loop3A_125 = arith.constant 1 : i32
      %parallel_loop3A_126 = arith.index_cast %parallel_loop3A_125 : i32 to index
      %parallel_loop3A_127 = arith.index_cast %parallel_loop3A_86 : i32 to index
      %parallel_loop3A_128 = tpu.vector_load %arg10[%parallel_loop3A_126, %parallel_loop3A_127] {strides = array<i32>} : memref<8x2048xf32, #tpu.memory_space<vmem>>, vector<16xf32>,
      tpu.vector_store %arg10[%parallel_loop3A_126, %parallel_loop3A_127], %parallel_loop3A_96 {strides = array<i32>} : memref<8x2048xf32, #tpu.memory_space<vmem>>, vector<16xf32>,
      %parallel_loop3A_129 = arith.constant 2 : i32
      %parallel_loop3A_130 = arith.index_cast %parallel_loop3A_129 : i32 to index
      %parallel_loop3A_131 = arith.index_cast %parallel_loop3A_86 : i32 to index
      %parallel_loop3A_132 = tpu.vector_load %arg10[%parallel_loop3A_130, %parallel_loop3A_131] {strides = array<i32>} : memref<8x2048xf32, #tpu.memory_space<vmem>>, vector<16xf32>,
      tpu.vector_store %arg10[%parallel_loop3A_130, %parallel_loop3A_131], %parallel_loop3A_100 {strides = array<i32>} : memref<8x2048xf32, #tpu.memory_space<vmem>>, vector<16xf32>,
      %parallel_loop3A_133 = arith.constant 3 : i32
      %parallel_loop3A_134 = arith.index_cast %parallel_loop3A_133 : i32 to index
      %parallel_loop3A_135 = arith.index_cast %parallel_loop3A_86 : i32 to index
      %parallel_loop3A_136 = tpu.vector_load %arg10[%parallel_loop3A_134, %parallel_loop3A_135] {strides = array<i32>} : memref<8x2048xf32, #tpu.memory_space<vmem>>, vector<16xf32>,
      tpu.vector_store %arg10[%parallel_loop3A_134, %parallel_loop3A_135], %parallel_loop3A_104 {strides = array<i32>} : memref<8x2048xf32, #tpu.memory_space<vmem>>, vector<16xf32>,
      %parallel_loop3A_137 = arith.constant 4 : i32
      %parallel_loop3A_138 = arith.index_cast %parallel_loop3A_137 : i32 to index
      %parallel_loop3A_139 = arith.index_cast %parallel_loop3A_86 : i32 to index
      %parallel_loop3A_140 = tpu.vector_load %arg10[%parallel_loop3A_138, %parallel_loop3A_139] {strides = array<i32>} : memref<8x2048xf32, #tpu.memory_space<vmem>>, vector<16xf32>,
      tpu.vector_store %arg10[%parallel_loop3A_138, %parallel_loop3A_139], %parallel_loop3A_108 {strides = array<i32>} : memref<8x2048xf32, #tpu.memory_space<vmem>>, vector<16xf32>,
      %parallel_loop3A_141 = arith.constant 5 : i32
      %parallel_loop3A_142 = arith.index_cast %parallel_loop3A_141 : i32 to index
      %parallel_loop3A_143 = arith.index_cast %parallel_loop3A_86 : i32 to index
      %parallel_loop3A_144 = tpu.vector_load %arg10[%parallel_loop3A_142, %parallel_loop3A_143] {strides = array<i32>} : memref<8x2048xf32, #tpu.memory_space<vmem>>, vector<16xf32>,
      tpu.vector_store %arg10[%parallel_loop3A_142, %parallel_loop3A_143], %parallel_loop3A_112 {strides = array<i32>} : memref<8x2048xf32, #tpu.memory_space<vmem>>, vector<16xf32>,
      %parallel_loop3A_145 = arith.constant 6 : i32
      %parallel_loop3A_146 = arith.index_cast %parallel_loop3A_145 : i32 to index
      %parallel_loop3A_147 = arith.index_cast %parallel_loop3A_86 : i32 to index
      %parallel_loop3A_148 = tpu.vector_load %arg10[%parallel_loop3A_146, %parallel_loop3A_147] {strides = array<i32>} : memref<8x2048xf32, #tpu.memory_space<vmem>>, vector<16xf32>,
      tpu.vector_store %arg10[%parallel_loop3A_146, %parallel_loop3A_147], %parallel_loop3A_116 {strides = array<i32>} : memref<8x2048xf32, #tpu.memory_space<vmem>>, vector<16xf32>,
      %parallel_loop3A_149 = arith.constant 7 : i32
      %parallel_loop3A_150 = arith.index_cast %parallel_loop3A_149 : i32 to index
      %parallel_loop3A_151 = arith.index_cast %parallel_loop3A_86 : i32 to index
      %parallel_loop3A_152 = tpu.vector_load %arg10[%parallel_loop3A_150, %parallel_loop3A_151] {strides = array<i32>} : memref<8x2048xf32, #tpu.memory_space<vmem>>, vector<16xf32>,
      tpu.vector_store %arg10[%parallel_loop3A_150, %parallel_loop3A_151], %parallel_loop3A_120 {strides = array<i32>} : memref<8x2048xf32, #tpu.memory_space<vmem>>, vector<16xf32>,
    } {sc.loop_unroll_factor = 1 : i64, sc.parallel_access}
    %add3A_51 = arith.constant 24 : i32
    %add3A_52 = arith.addi %add3A, %add3A_51 : i32
    %dma_start3A_53 = arith.constant 0 : i32
    %dma_start3A_54 = tpu.memref_slice %arg4[%add3A_52, %dma_start3A_53] : memref<32768x2048xf32, #tpu.memory_space<hbm>> -> memref<8x2048xf32, #tpu.memory_space<hbm>>
    %dma_start3A_55 = arith.constant 0 : i32
    %dma_start3A_56 = tpu.memref_slice %arg4[%add3A_52, %dma_start3A_55] : memref<32768x2048xf32, #tpu.memory_space<hbm>> -> memref<8x2048xf32, #tpu.memory_space<hbm>>
    tpu.enqueue_dma source(%arg10 : memref<8x2048xf32, #tpu.memory_space<vmem>>) target(%dma_start3A_56 : memref<8x2048xf32, #tpu.memory_space<hbm>>) target_semaphore(%arg11 : memref<!tpu.dma_semaphore, #tpu.memory_space<semaphore_mem>>)
    %scan3A = arith.constant 0 : i32
    %scan3A_57 = arith.constant 31 : i32
    %scan3A_58 = arith.addi %scan3A, %scan3A_57 : i32
    %scan3A_59 = arith.constant 1 : i32
    scf.for %scan3A_84 = %scan3A to %scan3A_58 step %scan3A_59  : i32 {
      %mul3A_85 = arith.constant 1 : i32
      %mul3A_86 = arith.muli %scan3A_84, %mul3A_85 : i32
      %add3A_87 = arith.constant 1 : i32
      %add3A_88 = arith.addi %add3A_87, %mul3A_86 : i32
      %dma_wait3A_89 = arith.constant 0 : i32
      %dma_wait3A_90 = arith.constant 0 : i32
      %dma_wait3A_91 = tpu.memref_slice %arg4[%dma_wait3A_89, %dma_wait3A_90] : memref<32768x2048xf32, #tpu.memory_space<hbm>> -> memref<8x2048xf32, #tpu.memory_space<hbm>>
      %dma_wait3A_92 = arith.constant 0 : i32
      %dma_wait3A_93 = arith.constant 0 : i32
      %dma_wait3A_94 = tpu.memref_slice %arg4[%dma_wait3A_92, %dma_wait3A_93] : memref<32768x2048xf32, #tpu.memory_space<hbm>> -> memref<8x2048xf32, #tpu.memory_space<hbm>>
      tpu.wait_dma2 semaphore(%arg11 : memref<!tpu.dma_semaphore, #tpu.memory_space<semaphore_mem>>) src(%dma_wait3A_94 : memref<8x2048xf32, #tpu.memory_space<hbm>>) dst(%arg7 : memref<8x2048xf32, #tpu.memory_space<vmem>>)
      %mul3A_95 = arith.constant 4 : i32
      %mul3A_96 = arith.muli %add3A_88, %mul3A_95 : i32
      %add3A_97 = arith.constant 0 : i32
      %add3A_98 = arith.addi %mul3A_96, %add3A_97 : i32
      %sub3A_99 = arith.constant 2040 : i32
      %sub3A_100 = arith.subi %sub3A_99, %mul3A_4 : i32
      %mul3A_101 = arith.constant 8 : i32
      %mul3A_102 = arith.muli %add3A_98, %mul3A_101 : i32
      %sub3A_103 = arith.subi %sub3A_100, %mul3A_102 : i32
      %parallel_loop3A_104 = arith.constant 0 : i32
      %parallel_loop3A_105 = arith.constant 128 : i32
      %parallel_loop3A_106 = arith.constant 1 : i32
      scf.for %parallel_loop3A_189 = %parallel_loop3A_104 to %parallel_loop3A_105 step %parallel_loop3A_106  : i32 {
        %parallel_loop3A_190 = arith.constant 16 : i32
        %parallel_loop3A_191 = arith.muli %parallel_loop3A_189, %parallel_loop3A_190 : i32
        %parallel_loop3A_192 = arith.addi %sub3A_103, %parallel_loop3A_191 : i32
        %parallel_loop3A_193 = tpu.assume_multiple %parallel_loop3A_192, 8 : i32
        %parallel_loop3A_194 = arith.constant 0 : i32
        %parallel_loop3A_195 = arith.addi %parallel_loop3A_194, %parallel_loop3A_193 : i32
        %parallel_loop3A_196 = arith.index_cast %parallel_loop3A_195 : i32 to index
        %parallel_loop3A_197 = tpu.vector_load %arg6[%parallel_loop3A_196] {strides = array<i32>} : memref<32768xf32, #tpu.memory_space<vmem>>, vector<16xf32>,
        %parallel_loop3A_198 = arith.constant 4096 : i32
        %parallel_loop3A_199 = arith.addi %parallel_loop3A_198, %parallel_loop3A_193 : i32
        %parallel_loop3A_200 = arith.index_cast %parallel_loop3A_199 : i32 to index
        %parallel_loop3A_201 = tpu.vector_load %arg6[%parallel_loop3A_200] {strides = array<i32>} : memref<32768xf32, #tpu.memory_space<vmem>>, vector<16xf32>,
        %parallel_loop3A_202 = arith.constant 8192 : i32
        %parallel_loop3A_203 = arith.addi %parallel_loop3A_202, %parallel_loop3A_193 : i32
        %parallel_loop3A_204 = arith.index_cast %parallel_loop3A_203 : i32 to index
        %parallel_loop3A_205 = tpu.vector_load %arg6[%parallel_loop3A_204] {strides = array<i32>} : memref<32768xf32, #tpu.memory_space<vmem>>, vector<16xf32>,
        %parallel_loop3A_206 = arith.constant 12288 : i32
        %parallel_loop3A_207 = arith.addi %parallel_loop3A_206, %parallel_loop3A_193 : i32
        %parallel_loop3A_208 = arith.index_cast %parallel_loop3A_207 : i32 to index
        %parallel_loop3A_209 = tpu.vector_load %arg6[%parallel_loop3A_208] {strides = array<i32>} : memref<32768xf32, #tpu.memory_space<vmem>>, vector<16xf32>,
        %parallel_loop3A_210 = arith.constant 16384 : i32
        %parallel_loop3A_211 = arith.addi %parallel_loop3A_210, %parallel_loop3A_193 : i32
        %parallel_loop3A_212 = arith.index_cast %parallel_loop3A_211 : i32 to index
        %parallel_loop3A_213 = tpu.vector_load %arg6[%parallel_loop3A_212] {strides = array<i32>} : memref<32768xf32, #tpu.memory_space<vmem>>, vector<16xf32>,
        %parallel_loop3A_214 = arith.constant 20480 : i32
        %parallel_loop3A_215 = arith.addi %parallel_loop3A_214, %parallel_loop3A_193 : i32
        %parallel_loop3A_216 = arith.index_cast %parallel_loop3A_215 : i32 to index
        %parallel_loop3A_217 = tpu.vector_load %arg6[%parallel_loop3A_216] {strides = array<i32>} : memref<32768xf32, #tpu.memory_space<vmem>>, vector<16xf32>,
        %parallel_loop3A_218 = arith.constant 24576 : i32
        %parallel_loop3A_219 = arith.addi %parallel_loop3A_218, %parallel_loop3A_193 : i32
        %parallel_loop3A_220 = arith.index_cast %parallel_loop3A_219 : i32 to index
        %parallel_loop3A_221 = tpu.vector_load %arg6[%parallel_loop3A_220] {strides = array<i32>} : memref<32768xf32, #tpu.memory_space<vmem>>, vector<16xf32>,
        %parallel_loop3A_222 = arith.constant 28672 : i32
        %parallel_loop3A_223 = arith.addi %parallel_loop3A_222, %parallel_loop3A_193 : i32
        %parallel_loop3A_224 = arith.index_cast %parallel_loop3A_223 : i32 to index
        %parallel_loop3A_225 = tpu.vector_load %arg6[%parallel_loop3A_224] {strides = array<i32>} : memref<32768xf32, #tpu.memory_space<vmem>>, vector<16xf32>,
        %parallel_loop3A_226 = arith.constant 0 : i32
        %parallel_loop3A_227 = arith.index_cast %parallel_loop3A_226 : i32 to index
        %parallel_loop3A_228 = arith.index_cast %parallel_loop3A_191 : i32 to index
        %parallel_loop3A_229 = tpu.vector_load %arg7[%parallel_loop3A_227, %parallel_loop3A_228] {strides = array<i32>} : memref<8x2048xf32, #tpu.memory_space<vmem>>, vector<16xf32>,
        tpu.vector_store %arg7[%parallel_loop3A_227, %parallel_loop3A_228], %parallel_loop3A_197 {strides = array<i32>} : memref<8x2048xf32, #tpu.memory_space<vmem>>, vector<16xf32>,
        %parallel_loop3A_230 = arith.constant 1 : i32
        %parallel_loop3A_231 = arith.index_cast %parallel_loop3A_230 : i32 to index
        %parallel_loop3A_232 = arith.index_cast %parallel_loop3A_191 : i32 to index
        %parallel_loop3A_233 = tpu.vector_load %arg7[%parallel_loop3A_231, %parallel_loop3A_232] {strides = array<i32>} : memref<8x2048xf32, #tpu.memory_space<vmem>>, vector<16xf32>,
        tpu.vector_store %arg7[%parallel_loop3A_231, %parallel_loop3A_232], %parallel_loop3A_201 {strides = array<i32>} : memref<8x2048xf32, #tpu.memory_space<vmem>>, vector<16xf32>,
        %parallel_loop3A_234 = arith.constant 2 : i32
        %parallel_loop3A_235 = arith.index_cast %parallel_loop3A_234 : i32 to index
        %parallel_loop3A_236 = arith.index_cast %parallel_loop3A_191 : i32 to index
        %parallel_loop3A_237 = tpu.vector_load %arg7[%parallel_loop3A_235, %parallel_loop3A_236] {strides = array<i32>} : memref<8x2048xf32, #tpu.memory_space<vmem>>, vector<16xf32>,
        tpu.vector_store %arg7[%parallel_loop3A_235, %parallel_loop3A_236], %parallel_loop3A_205 {strides = array<i32>} : memref<8x2048xf32, #tpu.memory_space<vmem>>, vector<16xf32>,
        %parallel_loop3A_238 = arith.constant 3 : i32
        %parallel_loop3A_239 = arith.index_cast %parallel_loop3A_238 : i32 to index
        %parallel_loop3A_240 = arith.index_cast %parallel_loop3A_191 : i32 to index
        %parallel_loop3A_241 = tpu.vector_load %arg7[%parallel_loop3A_239, %parallel_loop3A_240] {strides = array<i32>} : memref<8x2048xf32, #tpu.memory_space<vmem>>, vector<16xf32>,
        tpu.vector_store %arg7[%parallel_loop3A_239, %parallel_loop3A_240], %parallel_loop3A_209 {strides = array<i32>} : memref<8x2048xf32, #tpu.memory_space<vmem>>, vector<16xf32>,
        %parallel_loop3A_242 = arith.constant 4 : i32
        %parallel_loop3A_243 = arith.index_cast %parallel_loop3A_242 : i32 to index
        %parallel_loop3A_244 = arith.index_cast %parallel_loop3A_191 : i32 to index
        %parallel_loop3A_245 = tpu.vector_load %arg7[%parallel_loop3A_243, %parallel_loop3A_244] {strides = array<i32>} : memref<8x2048xf32, #tpu.memory_space<vmem>>, vector<16xf32>,
        tpu.vector_store %arg7[%parallel_loop3A_243, %parallel_loop3A_244], %parallel_loop3A_213 {strides = array<i32>} : memref<8x2048xf32, #tpu.memory_space<vmem>>, vector<16xf32>,
        %parallel_loop3A_246 = arith.constant 5 : i32
        %parallel_loop3A_247 = arith.index_cast %parallel_loop3A_246 : i32 to index
        %parallel_loop3A_248 = arith.index_cast %parallel_loop3A_191 : i32 to index
        %parallel_loop3A_249 = tpu.vector_load %arg7[%parallel_loop3A_247, %parallel_loop3A_248] {strides = array<i32>} : memref<8x2048xf32, #tpu.memory_space<vmem>>, vector<16xf32>,
        tpu.vector_store %arg7[%parallel_loop3A_247, %parallel_loop3A_248], %parallel_loop3A_217 {strides = array<i32>} : memref<8x2048xf32, #tpu.memory_space<vmem>>, vector<16xf32>,
        %parallel_loop3A_250 = arith.constant 6 : i32
        %parallel_loop3A_251 = arith.index_cast %parallel_loop3A_250 : i32 to index
        %parallel_loop3A_252 = arith.index_cast %parallel_loop3A_191 : i32 to index
        %parallel_loop3A_253 = tpu.vector_load %arg7[%parallel_loop3A_251, %parallel_loop3A_252] {strides = array<i32>} : memref<8x2048xf32, #tpu.memory_space<vmem>>, vector<16xf32>,
        tpu.vector_store %arg7[%parallel_loop3A_251, %parallel_loop3A_252], %parallel_loop3A_221 {strides = array<i32>} : memref<8x2048xf32, #tpu.memory_space<vmem>>, vector<16xf32>,
        %parallel_loop3A_254 = arith.constant 7 : i32
        %parallel_loop3A_255 = arith.index_cast %parallel_loop3A_254 : i32 to index
        %parallel_loop3A_256 = arith.index_cast %parallel_loop3A_191 : i32 to index
        %parallel_loop3A_257 = tpu.vector_load %arg7[%parallel_loop3A_255, %parallel_loop3A_256] {strides = array<i32>} : memref<8x2048xf32, #tpu.memory_space<vmem>>, vector<16xf32>,
        tpu.vector_store %arg7[%parallel_loop3A_255, %parallel_loop3A_256], %parallel_loop3A_225 {strides = array<i32>} : memref<8x2048xf32, #tpu.memory_space<vmem>>, vector<16xf32>,
      } {sc.loop_unroll_factor = 1 : i64, sc.parallel_access}
      %mul3A_107 = arith.constant 8 : i32
      %mul3A_108 = arith.muli %add3A_98, %mul3A_107 : i32
      %add3A_109 = arith.addi %add3A, %mul3A_108 : i32
      %dma_start3A_110 = arith.constant 0 : i32
      %dma_start3A_111 = tpu.memref_slice %arg4[%add3A_109, %dma_start3A_110] : memref<32768x2048xf32, #tpu.memory_space<hbm>> -> memref<8x2048xf32, #tpu.memory_space<hbm>>
      %dma_start3A_112 = arith.constant 0 : i32
      %dma_start3A_113 = tpu.memref_slice %arg4[%add3A_109, %dma_start3A_112] : memref<32768x2048xf32, #tpu.memory_space<hbm>> -> memref<8x2048xf32, #tpu.memory_space<hbm>>
      tpu.enqueue_dma source(%arg7 : memref<8x2048xf32, #tpu.memory_space<vmem>>) target(%dma_start3A_113 : memref<8x2048xf32, #tpu.memory_space<hbm>>) target_semaphore(%arg11 : memref<!tpu.dma_semaphore, #tpu.memory_space<semaphore_mem>>)
      %dma_wait3A_114 = arith.constant 0 : i32
      %dma_wait3A_115 = arith.constant 0 : i32
      %dma_wait3A_116 = tpu.memref_slice %arg4[%dma_wait3A_114, %dma_wait3A_115] : memref<32768x2048xf32, #tpu.memory_space<hbm>> -> memref<8x2048xf32, #tpu.memory_space<hbm>>
      %dma_wait3A_117 = arith.constant 0 : i32
      %dma_wait3A_118 = arith.constant 0 : i32
      %dma_wait3A_119 = tpu.memref_slice %arg4[%dma_wait3A_117, %dma_wait3A_118] : memref<32768x2048xf32, #tpu.memory_space<hbm>> -> memref<8x2048xf32, #tpu.memory_space<hbm>>
      tpu.wait_dma2 semaphore(%arg11 : memref<!tpu.dma_semaphore, #tpu.memory_space<semaphore_mem>>) src(%dma_wait3A_119 : memref<8x2048xf32, #tpu.memory_space<hbm>>) dst(%arg8 : memref<8x2048xf32, #tpu.memory_space<vmem>>)
      %mul3A_120 = arith.constant 4 : i32
      %mul3A_121 = arith.muli %add3A_88, %mul3A_120 : i32
      %add3A_122 = arith.constant 1 : i32
      %add3A_123 = arith.addi %mul3A_121, %add3A_122 : i32
      %sub3A_124 = arith.constant 2040 : i32
      %sub3A_125 = arith.subi %sub3A_124, %mul3A_4 : i32
      %mul3A_126 = arith.constant 8 : i32
      %mul3A_127 = arith.muli %add3A_123, %mul3A_126 : i32
      %sub3A_128 = arith.subi %sub3A_125, %mul3A_127 : i32
      %parallel_loop3A_129 = arith.constant 0 : i32
      %parallel_loop3A_130 = arith.constant 128 : i32
      %parallel_loop3A_131 = arith.constant 1 : i32
      scf.for %parallel_loop3A_189 = %parallel_loop3A_129 to %parallel_loop3A_130 step %parallel_loop3A_131  : i32 {
        %parallel_loop3A_190 = arith.constant 16 : i32
        %parallel_loop3A_191 = arith.muli %parallel_loop3A_189, %parallel_loop3A_190 : i32
        %parallel_loop3A_192 = arith.addi %sub3A_128, %parallel_loop3A_191 : i32
        %parallel_loop3A_193 = tpu.assume_multiple %parallel_loop3A_192, 8 : i32
        %parallel_loop3A_194 = arith.constant 0 : i32
        %parallel_loop3A_195 = arith.addi %parallel_loop3A_194, %parallel_loop3A_193 : i32
        %parallel_loop3A_196 = arith.index_cast %parallel_loop3A_195 : i32 to index
        %parallel_loop3A_197 = tpu.vector_load %arg6[%parallel_loop3A_196] {strides = array<i32>} : memref<32768xf32, #tpu.memory_space<vmem>>, vector<16xf32>,
        %parallel_loop3A_198 = arith.constant 4096 : i32
        %parallel_loop3A_199 = arith.addi %parallel_loop3A_198, %parallel_loop3A_193 : i32
        %parallel_loop3A_200 = arith.index_cast %parallel_loop3A_199 : i32 to index
        %parallel_loop3A_201 = tpu.vector_load %arg6[%parallel_loop3A_200] {strides = array<i32>} : memref<32768xf32, #tpu.memory_space<vmem>>, vector<16xf32>,
        %parallel_loop3A_202 = arith.constant 8192 : i32
        %parallel_loop3A_203 = arith.addi %parallel_loop3A_202, %parallel_loop3A_193 : i32
        %parallel_loop3A_204 = arith.index_cast %parallel_loop3A_203 : i32 to index
        %parallel_loop3A_205 = tpu.vector_load %arg6[%parallel_loop3A_204] {strides = array<i32>} : memref<32768xf32, #tpu.memory_space<vmem>>, vector<16xf32>,
        %parallel_loop3A_206 = arith.constant 12288 : i32
        %parallel_loop3A_207 = arith.addi %parallel_loop3A_206, %parallel_loop3A_193 : i32
        %parallel_loop3A_208 = arith.index_cast %parallel_loop3A_207 : i32 to index
        %parallel_loop3A_209 = tpu.vector_load %arg6[%parallel_loop3A_208] {strides = array<i32>} : memref<32768xf32, #tpu.memory_space<vmem>>, vector<16xf32>,
        %parallel_loop3A_210 = arith.constant 16384 : i32
        %parallel_loop3A_211 = arith.addi %parallel_loop3A_210, %parallel_loop3A_193 : i32
        %parallel_loop3A_212 = arith.index_cast %parallel_loop3A_211 : i32 to index
        %parallel_loop3A_213 = tpu.vector_load %arg6[%parallel_loop3A_212] {strides = array<i32>} : memref<32768xf32, #tpu.memory_space<vmem>>, vector<16xf32>,
        %parallel_loop3A_214 = arith.constant 20480 : i32
        %parallel_loop3A_215 = arith.addi %parallel_loop3A_214, %parallel_loop3A_193 : i32
        %parallel_loop3A_216 = arith.index_cast %parallel_loop3A_215 : i32 to index
        %parallel_loop3A_217 = tpu.vector_load %arg6[%parallel_loop3A_216] {strides = array<i32>} : memref<32768xf32, #tpu.memory_space<vmem>>, vector<16xf32>,
        %parallel_loop3A_218 = arith.constant 24576 : i32
        %parallel_loop3A_219 = arith.addi %parallel_loop3A_218, %parallel_loop3A_193 : i32
        %parallel_loop3A_220 = arith.index_cast %parallel_loop3A_219 : i32 to index
        %parallel_loop3A_221 = tpu.vector_load %arg6[%parallel_loop3A_220] {strides = array<i32>} : memref<32768xf32, #tpu.memory_space<vmem>>, vector<16xf32>,
        %parallel_loop3A_222 = arith.constant 28672 : i32
        %parallel_loop3A_223 = arith.addi %parallel_loop3A_222, %parallel_loop3A_193 : i32
        %parallel_loop3A_224 = arith.index_cast %parallel_loop3A_223 : i32 to index
        %parallel_loop3A_225 = tpu.vector_load %arg6[%parallel_loop3A_224] {strides = array<i32>} : memref<32768xf32, #tpu.memory_space<vmem>>, vector<16xf32>,
        %parallel_loop3A_226 = arith.constant 0 : i32
        %parallel_loop3A_227 = arith.index_cast %parallel_loop3A_226 : i32 to index
        %parallel_loop3A_228 = arith.index_cast %parallel_loop3A_191 : i32 to index
        %parallel_loop3A_229 = tpu.vector_load %arg8[%parallel_loop3A_227, %parallel_loop3A_228] {strides = array<i32>} : memref<8x2048xf32, #tpu.memory_space<vmem>>, vector<16xf32>,
        tpu.vector_store %arg8[%parallel_loop3A_227, %parallel_loop3A_228], %parallel_loop3A_197 {strides = array<i32>} : memref<8x2048xf32, #tpu.memory_space<vmem>>, vector<16xf32>,
        %parallel_loop3A_230 = arith.constant 1 : i32
        %parallel_loop3A_231 = arith.index_cast %parallel_loop3A_230 : i32 to index
        %parallel_loop3A_232 = arith.index_cast %parallel_loop3A_191 : i32 to index
        %parallel_loop3A_233 = tpu.vector_load %arg8[%parallel_loop3A_231, %parallel_loop3A_232] {strides = array<i32>} : memref<8x2048xf32, #tpu.memory_space<vmem>>, vector<16xf32>,
        tpu.vector_store %arg8[%parallel_loop3A_231, %parallel_loop3A_232], %parallel_loop3A_201 {strides = array<i32>} : memref<8x2048xf32, #tpu.memory_space<vmem>>, vector<16xf32>,
        %parallel_loop3A_234 = arith.constant 2 : i32
        %parallel_loop3A_235 = arith.index_cast %parallel_loop3A_234 : i32 to index
        %parallel_loop3A_236 = arith.index_cast %parallel_loop3A_191 : i32 to index
        %parallel_loop3A_237 = tpu.vector_load %arg8[%parallel_loop3A_235, %parallel_loop3A_236] {strides = array<i32>} : memref<8x2048xf32, #tpu.memory_space<vmem>>, vector<16xf32>,
        tpu.vector_store %arg8[%parallel_loop3A_235, %parallel_loop3A_236], %parallel_loop3A_205 {strides = array<i32>} : memref<8x2048xf32, #tpu.memory_space<vmem>>, vector<16xf32>,
        %parallel_loop3A_238 = arith.constant 3 : i32
        %parallel_loop3A_239 = arith.index_cast %parallel_loop3A_238 : i32 to index
        %parallel_loop3A_240 = arith.index_cast %parallel_loop3A_191 : i32 to index
        %parallel_loop3A_241 = tpu.vector_load %arg8[%parallel_loop3A_239, %parallel_loop3A_240] {strides = array<i32>} : memref<8x2048xf32, #tpu.memory_space<vmem>>, vector<16xf32>,
        tpu.vector_store %arg8[%parallel_loop3A_239, %parallel_loop3A_240], %parallel_loop3A_209 {strides = array<i32>} : memref<8x2048xf32, #tpu.memory_space<vmem>>, vector<16xf32>,
        %parallel_loop3A_242 = arith.constant 4 : i32
        %parallel_loop3A_243 = arith.index_cast %parallel_loop3A_242 : i32 to index
        %parallel_loop3A_244 = arith.index_cast %parallel_loop3A_191 : i32 to index
        %parallel_loop3A_245 = tpu.vector_load %arg8[%parallel_loop3A_243, %parallel_loop3A_244] {strides = array<i32>} : memref<8x2048xf32, #tpu.memory_space<vmem>>, vector<16xf32>,
        tpu.vector_store %arg8[%parallel_loop3A_243, %parallel_loop3A_244], %parallel_loop3A_213 {strides = array<i32>} : memref<8x2048xf32, #tpu.memory_space<vmem>>, vector<16xf32>,
        %parallel_loop3A_246 = arith.constant 5 : i32
        %parallel_loop3A_247 = arith.index_cast %parallel_loop3A_246 : i32 to index
        %parallel_loop3A_248 = arith.index_cast %parallel_loop3A_191 : i32 to index
        %parallel_loop3A_249 = tpu.vector_load %arg8[%parallel_loop3A_247, %parallel_loop3A_248] {strides = array<i32>} : memref<8x2048xf32, #tpu.memory_space<vmem>>, vector<16xf32>,
        tpu.vector_store %arg8[%parallel_loop3A_247, %parallel_loop3A_248], %parallel_loop3A_217 {strides = array<i32>} : memref<8x2048xf32, #tpu.memory_space<vmem>>, vector<16xf32>,
        %parallel_loop3A_250 = arith.constant 6 : i32
        %parallel_loop3A_251 = arith.index_cast %parallel_loop3A_250 : i32 to index
        %parallel_loop3A_252 = arith.index_cast %parallel_loop3A_191 : i32 to index
        %parallel_loop3A_253 = tpu.vector_load %arg8[%parallel_loop3A_251, %parallel_loop3A_252] {strides = array<i32>} : memref<8x2048xf32, #tpu.memory_space<vmem>>, vector<16xf32>,
        tpu.vector_store %arg8[%parallel_loop3A_251, %parallel_loop3A_252], %parallel_loop3A_221 {strides = array<i32>} : memref<8x2048xf32, #tpu.memory_space<vmem>>, vector<16xf32>,
        %parallel_loop3A_254 = arith.constant 7 : i32
        %parallel_loop3A_255 = arith.index_cast %parallel_loop3A_254 : i32 to index
        %parallel_loop3A_256 = arith.index_cast %parallel_loop3A_191 : i32 to index
        %parallel_loop3A_257 = tpu.vector_load %arg8[%parallel_loop3A_255, %parallel_loop3A_256] {strides = array<i32>} : memref<8x2048xf32, #tpu.memory_space<vmem>>, vector<16xf32>,
        tpu.vector_store %arg8[%parallel_loop3A_255, %parallel_loop3A_256], %parallel_loop3A_225 {strides = array<i32>} : memref<8x2048xf32, #tpu.memory_space<vmem>>, vector<16xf32>,
      } {sc.loop_unroll_factor = 1 : i64, sc.parallel_access}
      %mul3A_132 = arith.constant 8 : i32
      %mul3A_133 = arith.muli %add3A_123, %mul3A_132 : i32
      %add3A_134 = arith.addi %add3A, %mul3A_133 : i32
      %dma_start3A_135 = arith.constant 0 : i32
      %dma_start3A_136 = tpu.memref_slice %arg4[%add3A_134, %dma_start3A_135] : memref<32768x2048xf32, #tpu.memory_space<hbm>> -> memref<8x2048xf32, #tpu.memory_space<hbm>>
      %dma_start3A_137 = arith.constant 0 : i32
      %dma_start3A_138 = tpu.memref_slice %arg4[%add3A_134, %dma_start3A_137] : memref<32768x2048xf32, #tpu.memory_space<hbm>> -> memref<8x2048xf32, #tpu.memory_space<hbm>>
      tpu.enqueue_dma source(%arg8 : memref<8x2048xf32, #tpu.memory_space<vmem>>) target(%dma_start3A_138 : memref<8x2048xf32, #tpu.memory_space<hbm>>) target_semaphore(%arg11 : memref<!tpu.dma_semaphore, #tpu.memory_space<semaphore_mem>>)
      %dma_wait3A_139 = arith.constant 0 : i32
      %dma_wait3A_140 = arith.constant 0 : i32
      %dma_wait3A_141 = tpu.memref_slice %arg4[%dma_wait3A_139, %dma_wait3A_140] : memref<32768x2048xf32, #tpu.memory_space<hbm>> -> memref<8x2048xf32, #tpu.memory_space<hbm>>
      %dma_wait3A_142 = arith.constant 0 : i32
      %dma_wait3A_143 = arith.constant 0 : i32
      %dma_wait3A_144 = tpu.memref_slice %arg4[%dma_wait3A_142, %dma_wait3A_143] : memref<32768x2048xf32, #tpu.memory_space<hbm>> -> memref<8x2048xf32, #tpu.memory_space<hbm>>
      tpu.wait_dma2 semaphore(%arg11 : memref<!tpu.dma_semaphore, #tpu.memory_space<semaphore_mem>>) src(%dma_wait3A_144 : memref<8x2048xf32, #tpu.memory_space<hbm>>) dst(%arg9 : memref<8x2048xf32, #tpu.memory_space<vmem>>)
      %mul3A_145 = arith.constant 4 : i32
      %mul3A_146 = arith.muli %add3A_88, %mul3A_145 : i32
      %add3A_147 = arith.constant 2 : i32
      %add3A_148 = arith.addi %mul3A_146, %add3A_147 : i32
      %sub3A_149 = arith.constant 2040 : i32
      %sub3A_150 = arith.subi %sub3A_149, %mul3A_4 : i32
      %mul3A_151 = arith.constant 8 : i32
      %mul3A_152 = arith.muli %add3A_148, %mul3A_151 : i32
      %sub3A_153 = arith.subi %sub3A_150, %mul3A_152 : i32
      %parallel_loop3A_154 = arith.constant 0 : i32
      %parallel_loop3A_155 = arith.constant 128 : i32
      %parallel_loop3A_156 = arith.constant 1 : i32
      scf.for %parallel_loop3A_189 = %parallel_loop3A_154 to %parallel_loop3A_155 step %parallel_loop3A_156  : i32 {
        %parallel_loop3A_190 = arith.constant 16 : i32
        %parallel_loop3A_191 = arith.muli %parallel_loop3A_189, %parallel_loop3A_190 : i32
        %parallel_loop3A_192 = arith.addi %sub3A_153, %parallel_loop3A_191 : i32
        %parallel_loop3A_193 = tpu.assume_multiple %parallel_loop3A_192, 8 : i32
        %parallel_loop3A_194 = arith.constant 0 : i32
        %parallel_loop3A_195 = arith.addi %parallel_loop3A_194, %parallel_loop3A_193 : i32
        %parallel_loop3A_196 = arith.index_cast %parallel_loop3A_195 : i32 to index
        %parallel_loop3A_197 = tpu.vector_load %arg6[%parallel_loop3A_196] {strides = array<i32>} : memref<32768xf32, #tpu.memory_space<vmem>>, vector<16xf32>,
        %parallel_loop3A_198 = arith.constant 4096 : i32
        %parallel_loop3A_199 = arith.addi %parallel_loop3A_198, %parallel_loop3A_193 : i32
        %parallel_loop3A_200 = arith.index_cast %parallel_loop3A_199 : i32 to index
        %parallel_loop3A_201 = tpu.vector_load %arg6[%parallel_loop3A_200] {strides = array<i32>} : memref<32768xf32, #tpu.memory_space<vmem>>, vector<16xf32>,
        %parallel_loop3A_202 = arith.constant 8192 : i32
        %parallel_loop3A_203 = arith.addi %parallel_loop3A_202, %parallel_loop3A_193 : i32
        %parallel_loop3A_204 = arith.index_cast %parallel_loop3A_203 : i32 to index
        %parallel_loop3A_205 = tpu.vector_load %arg6[%parallel_loop3A_204] {strides = array<i32>} : memref<32768xf32, #tpu.memory_space<vmem>>, vector<16xf32>,
        %parallel_loop3A_206 = arith.constant 12288 : i32
        %parallel_loop3A_207 = arith.addi %parallel_loop3A_206, %parallel_loop3A_193 : i32
        %parallel_loop3A_208 = arith.index_cast %parallel_loop3A_207 : i32 to index
        %parallel_loop3A_209 = tpu.vector_load %arg6[%parallel_loop3A_208] {strides = array<i32>} : memref<32768xf32, #tpu.memory_space<vmem>>, vector<16xf32>,
        %parallel_loop3A_210 = arith.constant 16384 : i32
        %parallel_loop3A_211 = arith.addi %parallel_loop3A_210, %parallel_loop3A_193 : i32
        %parallel_loop3A_212 = arith.index_cast %parallel_loop3A_211 : i32 to index
        %parallel_loop3A_213 = tpu.vector_load %arg6[%parallel_loop3A_212] {strides = array<i32>} : memref<32768xf32, #tpu.memory_space<vmem>>, vector<16xf32>,
        %parallel_loop3A_214 = arith.constant 20480 : i32
        %parallel_loop3A_215 = arith.addi %parallel_loop3A_214, %parallel_loop3A_193 : i32
        %parallel_loop3A_216 = arith.index_cast %parallel_loop3A_215 : i32 to index
        %parallel_loop3A_217 = tpu.vector_load %arg6[%parallel_loop3A_216] {strides = array<i32>} : memref<32768xf32, #tpu.memory_space<vmem>>, vector<16xf32>,
        %parallel_loop3A_218 = arith.constant 24576 : i32
        %parallel_loop3A_219 = arith.addi %parallel_loop3A_218, %parallel_loop3A_193 : i32
        %parallel_loop3A_220 = arith.index_cast %parallel_loop3A_219 : i32 to index
        %parallel_loop3A_221 = tpu.vector_load %arg6[%parallel_loop3A_220] {strides = array<i32>} : memref<32768xf32, #tpu.memory_space<vmem>>, vector<16xf32>,
        %parallel_loop3A_222 = arith.constant 28672 : i32
        %parallel_loop3A_223 = arith.addi %parallel_loop3A_222, %parallel_loop3A_193 : i32
        %parallel_loop3A_224 = arith.index_cast %parallel_loop3A_223 : i32 to index
        %parallel_loop3A_225 = tpu.vector_load %arg6[%parallel_loop3A_224] {strides = array<i32>} : memref<32768xf32, #tpu.memory_space<vmem>>, vector<16xf32>,
        %parallel_loop3A_226 = arith.constant 0 : i32
        %parallel_loop3A_227 = arith.index_cast %parallel_loop3A_226 : i32 to index
        %parallel_loop3A_228 = arith.index_cast %parallel_loop3A_191 : i32 to index
        %parallel_loop3A_229 = tpu.vector_load %arg9[%parallel_loop3A_227, %parallel_loop3A_228] {strides = array<i32>} : memref<8x2048xf32, #tpu.memory_space<vmem>>, vector<16xf32>,
        tpu.vector_store %arg9[%parallel_loop3A_227, %parallel_loop3A_228], %parallel_loop3A_197 {strides = array<i32>} : memref<8x2048xf32, #tpu.memory_space<vmem>>, vector<16xf32>,
        %parallel_loop3A_230 = arith.constant 1 : i32
        %parallel_loop3A_231 = arith.index_cast %parallel_loop3A_230 : i32 to index
        %parallel_loop3A_232 = arith.index_cast %parallel_loop3A_191 : i32 to index
        %parallel_loop3A_233 = tpu.vector_load %arg9[%parallel_loop3A_231, %parallel_loop3A_232] {strides = array<i32>} : memref<8x2048xf32, #tpu.memory_space<vmem>>, vector<16xf32>,
        tpu.vector_store %arg9[%parallel_loop3A_231, %parallel_loop3A_232], %parallel_loop3A_201 {strides = array<i32>} : memref<8x2048xf32, #tpu.memory_space<vmem>>, vector<16xf32>,
        %parallel_loop3A_234 = arith.constant 2 : i32
        %parallel_loop3A_235 = arith.index_cast %parallel_loop3A_234 : i32 to index
        %parallel_loop3A_236 = arith.index_cast %parallel_loop3A_191 : i32 to index
        %parallel_loop3A_237 = tpu.vector_load %arg9[%parallel_loop3A_235, %parallel_loop3A_236] {strides = array<i32>} : memref<8x2048xf32, #tpu.memory_space<vmem>>, vector<16xf32>,
        tpu.vector_store %arg9[%parallel_loop3A_235, %parallel_loop3A_236], %parallel_loop3A_205 {strides = array<i32>} : memref<8x2048xf32, #tpu.memory_space<vmem>>, vector<16xf32>,
        %parallel_loop3A_238 = arith.constant 3 : i32
        %parallel_loop3A_239 = arith.index_cast %parallel_loop3A_238 : i32 to index
        %parallel_loop3A_240 = arith.index_cast %parallel_loop3A_191 : i32 to index
        %parallel_loop3A_241 = tpu.vector_load %arg9[%parallel_loop3A_239, %parallel_loop3A_240] {strides = array<i32>} : memref<8x2048xf32, #tpu.memory_space<vmem>>, vector<16xf32>,
        tpu.vector_store %arg9[%parallel_loop3A_239, %parallel_loop3A_240], %parallel_loop3A_209 {strides = array<i32>} : memref<8x2048xf32, #tpu.memory_space<vmem>>, vector<16xf32>,
        %parallel_loop3A_242 = arith.constant 4 : i32
        %parallel_loop3A_243 = arith.index_cast %parallel_loop3A_242 : i32 to index
        %parallel_loop3A_244 = arith.index_cast %parallel_loop3A_191 : i32 to index
        %parallel_loop3A_245 = tpu.vector_load %arg9[%parallel_loop3A_243, %parallel_loop3A_244] {strides = array<i32>} : memref<8x2048xf32, #tpu.memory_space<vmem>>, vector<16xf32>,
        tpu.vector_store %arg9[%parallel_loop3A_243, %parallel_loop3A_244], %parallel_loop3A_213 {strides = array<i32>} : memref<8x2048xf32, #tpu.memory_space<vmem>>, vector<16xf32>,
        %parallel_loop3A_246 = arith.constant 5 : i32
        %parallel_loop3A_247 = arith.index_cast %parallel_loop3A_246 : i32 to index
        %parallel_loop3A_248 = arith.index_cast %parallel_loop3A_191 : i32 to index
        %parallel_loop3A_249 = tpu.vector_load %arg9[%parallel_loop3A_247, %parallel_loop3A_248] {strides = array<i32>} : memref<8x2048xf32, #tpu.memory_space<vmem>>, vector<16xf32>,
        tpu.vector_store %arg9[%parallel_loop3A_247, %parallel_loop3A_248], %parallel_loop3A_217 {strides = array<i32>} : memref<8x2048xf32, #tpu.memory_space<vmem>>, vector<16xf32>,
        %parallel_loop3A_250 = arith.constant 6 : i32
        %parallel_loop3A_251 = arith.index_cast %parallel_loop3A_250 : i32 to index
        %parallel_loop3A_252 = arith.index_cast %parallel_loop3A_191 : i32 to index
        %parallel_loop3A_253 = tpu.vector_load %arg9[%parallel_loop3A_251, %parallel_loop3A_252] {strides = array<i32>} : memref<8x2048xf32, #tpu.memory_space<vmem>>, vector<16xf32>,
        tpu.vector_store %arg9[%parallel_loop3A_251, %parallel_loop3A_252], %parallel_loop3A_221 {strides = array<i32>} : memref<8x2048xf32, #tpu.memory_space<vmem>>, vector<16xf32>,
        %parallel_loop3A_254 = arith.constant 7 : i32
        %parallel_loop3A_255 = arith.index_cast %parallel_loop3A_254 : i32 to index
        %parallel_loop3A_256 = arith.index_cast %parallel_loop3A_191 : i32 to index
        %parallel_loop3A_257 = tpu.vector_load %arg9[%parallel_loop3A_255, %parallel_loop3A_256] {strides = array<i32>} : memref<8x2048xf32, #tpu.memory_space<vmem>>, vector<16xf32>,
        tpu.vector_store %arg9[%parallel_loop3A_255, %parallel_loop3A_256], %parallel_loop3A_225 {strides = array<i32>} : memref<8x2048xf32, #tpu.memory_space<vmem>>, vector<16xf32>,
      } {sc.loop_unroll_factor = 1 : i64, sc.parallel_access}
      %mul3A_157 = arith.constant 8 : i32
      %mul3A_158 = arith.muli %add3A_148, %mul3A_157 : i32
      %add3A_159 = arith.addi %add3A, %mul3A_158 : i32
      %dma_start3A_160 = arith.constant 0 : i32
      %dma_start3A_161 = tpu.memref_slice %arg4[%add3A_159, %dma_start3A_160] : memref<32768x2048xf32, #tpu.memory_space<hbm>> -> memref<8x2048xf32, #tpu.memory_space<hbm>>
      %dma_start3A_162 = arith.constant 0 : i32
      %dma_start3A_163 = tpu.memref_slice %arg4[%add3A_159, %dma_start3A_162] : memref<32768x2048xf32, #tpu.memory_space<hbm>> -> memref<8x2048xf32, #tpu.memory_space<hbm>>
      tpu.enqueue_dma source(%arg9 : memref<8x2048xf32, #tpu.memory_space<vmem>>) target(%dma_start3A_163 : memref<8x2048xf32, #tpu.memory_space<hbm>>) target_semaphore(%arg11 : memref<!tpu.dma_semaphore, #tpu.memory_space<semaphore_mem>>)
      %dma_wait3A_164 = arith.constant 0 : i32
      %dma_wait3A_165 = arith.constant 0 : i32
      %dma_wait3A_166 = tpu.memref_slice %arg4[%dma_wait3A_164, %dma_wait3A_165] : memref<32768x2048xf32, #tpu.memory_space<hbm>> -> memref<8x2048xf32, #tpu.memory_space<hbm>>
      %dma_wait3A_167 = arith.constant 0 : i32
      %dma_wait3A_168 = arith.constant 0 : i32
      %dma_wait3A_169 = tpu.memref_slice %arg4[%dma_wait3A_167, %dma_wait3A_168] : memref<32768x2048xf32, #tpu.memory_space<hbm>> -> memref<8x2048xf32, #tpu.memory_space<hbm>>
      tpu.wait_dma2 semaphore(%arg11 : memref<!tpu.dma_semaphore, #tpu.memory_space<semaphore_mem>>) src(%dma_wait3A_169 : memref<8x2048xf32, #tpu.memory_space<hbm>>) dst(%arg10 : memref<8x2048xf32, #tpu.memory_space<vmem>>)
      %mul3A_170 = arith.constant 4 : i32
      %mul3A_171 = arith.muli %add3A_88, %mul3A_170 : i32
      %add3A_172 = arith.constant 3 : i32
      %add3A_173 = arith.addi %mul3A_171, %add3A_172 : i32
      %sub3A_174 = arith.constant 2040 : i32
      %sub3A_175 = arith.subi %sub3A_174, %mul3A_4 : i32
      %mul3A_176 = arith.constant 8 : i32
      %mul3A_177 = arith.muli %add3A_173, %mul3A_176 : i32
      %sub3A_178 = arith.subi %sub3A_175, %mul3A_177 : i32
      %parallel_loop3A_179 = arith.constant 0 : i32
      %parallel_loop3A_180 = arith.constant 128 : i32
      %parallel_loop3A_181 = arith.constant 1 : i32
      scf.for %parallel_loop3A_189 = %parallel_loop3A_179 to %parallel_loop3A_180 step %parallel_loop3A_181  : i32 {
        %parallel_loop3A_190 = arith.constant 16 : i32
        %parallel_loop3A_191 = arith.muli %parallel_loop3A_189, %parallel_loop3A_190 : i32
        %parallel_loop3A_192 = arith.addi %sub3A_178, %parallel_loop3A_191 : i32
        %parallel_loop3A_193 = tpu.assume_multiple %parallel_loop3A_192, 8 : i32
        %parallel_loop3A_194 = arith.constant 0 : i32
        %parallel_loop3A_195 = arith.addi %parallel_loop3A_194, %parallel_loop3A_193 : i32
        %parallel_loop3A_196 = arith.index_cast %parallel_loop3A_195 : i32 to index
        %parallel_loop3A_197 = tpu.vector_load %arg6[%parallel_loop3A_196] {strides = array<i32>} : memref<32768xf32, #tpu.memory_space<vmem>>, vector<16xf32>,
        %parallel_loop3A_198 = arith.constant 4096 : i32
        %parallel_loop3A_199 = arith.addi %parallel_loop3A_198, %parallel_loop3A_193 : i32
        %parallel_loop3A_200 = arith.index_cast %parallel_loop3A_199 : i32 to index
        %parallel_loop3A_201 = tpu.vector_load %arg6[%parallel_loop3A_200] {strides = array<i32>} : memref<32768xf32, #tpu.memory_space<vmem>>, vector<16xf32>,
        %parallel_loop3A_202 = arith.constant 8192 : i32
        %parallel_loop3A_203 = arith.addi %parallel_loop3A_202, %parallel_loop3A_193 : i32
        %parallel_loop3A_204 = arith.index_cast %parallel_loop3A_203 : i32 to index
        %parallel_loop3A_205 = tpu.vector_load %arg6[%parallel_loop3A_204] {strides = array<i32>} : memref<32768xf32, #tpu.memory_space<vmem>>, vector<16xf32>,
        %parallel_loop3A_206 = arith.constant 12288 : i32
        %parallel_loop3A_207 = arith.addi %parallel_loop3A_206, %parallel_loop3A_193 : i32
        %parallel_loop3A_208 = arith.index_cast %parallel_loop3A_207 : i32 to index
        %parallel_loop3A_209 = tpu.vector_load %arg6[%parallel_loop3A_208] {strides = array<i32>} : memref<32768xf32, #tpu.memory_space<vmem>>, vector<16xf32>,
        %parallel_loop3A_210 = arith.constant 16384 : i32
        %parallel_loop3A_211 = arith.addi %parallel_loop3A_210, %parallel_loop3A_193 : i32
        %parallel_loop3A_212 = arith.index_cast %parallel_loop3A_211 : i32 to index
        %parallel_loop3A_213 = tpu.vector_load %arg6[%parallel_loop3A_212] {strides = array<i32>} : memref<32768xf32, #tpu.memory_space<vmem>>, vector<16xf32>,
        %parallel_loop3A_214 = arith.constant 20480 : i32
        %parallel_loop3A_215 = arith.addi %parallel_loop3A_214, %parallel_loop3A_193 : i32
        %parallel_loop3A_216 = arith.index_cast %parallel_loop3A_215 : i32 to index
        %parallel_loop3A_217 = tpu.vector_load %arg6[%parallel_loop3A_216] {strides = array<i32>} : memref<32768xf32, #tpu.memory_space<vmem>>, vector<16xf32>,
        %parallel_loop3A_218 = arith.constant 24576 : i32
        %parallel_loop3A_219 = arith.addi %parallel_loop3A_218, %parallel_loop3A_193 : i32
        %parallel_loop3A_220 = arith.index_cast %parallel_loop3A_219 : i32 to index
        %parallel_loop3A_221 = tpu.vector_load %arg6[%parallel_loop3A_220] {strides = array<i32>} : memref<32768xf32, #tpu.memory_space<vmem>>, vector<16xf32>,
        %parallel_loop3A_222 = arith.constant 28672 : i32
        %parallel_loop3A_223 = arith.addi %parallel_loop3A_222, %parallel_loop3A_193 : i32
        %parallel_loop3A_224 = arith.index_cast %parallel_loop3A_223 : i32 to index
        %parallel_loop3A_225 = tpu.vector_load %arg6[%parallel_loop3A_224] {strides = array<i32>} : memref<32768xf32, #tpu.memory_space<vmem>>, vector<16xf32>,
        %parallel_loop3A_226 = arith.constant 0 : i32
        %parallel_loop3A_227 = arith.index_cast %parallel_loop3A_226 : i32 to index
        %parallel_loop3A_228 = arith.index_cast %parallel_loop3A_191 : i32 to index
        %parallel_loop3A_229 = tpu.vector_load %arg10[%parallel_loop3A_227, %parallel_loop3A_228] {strides = array<i32>} : memref<8x2048xf32, #tpu.memory_space<vmem>>, vector<16xf32>,
        tpu.vector_store %arg10[%parallel_loop3A_227, %parallel_loop3A_228], %parallel_loop3A_197 {strides = array<i32>} : memref<8x2048xf32, #tpu.memory_space<vmem>>, vector<16xf32>,
        %parallel_loop3A_230 = arith.constant 1 : i32
        %parallel_loop3A_231 = arith.index_cast %parallel_loop3A_230 : i32 to index
        %parallel_loop3A_232 = arith.index_cast %parallel_loop3A_191 : i32 to index
        %parallel_loop3A_233 = tpu.vector_load %arg10[%parallel_loop3A_231, %parallel_loop3A_232] {strides = array<i32>} : memref<8x2048xf32, #tpu.memory_space<vmem>>, vector<16xf32>,
        tpu.vector_store %arg10[%parallel_loop3A_231, %parallel_loop3A_232], %parallel_loop3A_201 {strides = array<i32>} : memref<8x2048xf32, #tpu.memory_space<vmem>>, vector<16xf32>,
        %parallel_loop3A_234 = arith.constant 2 : i32
        %parallel_loop3A_235 = arith.index_cast %parallel_loop3A_234 : i32 to index
        %parallel_loop3A_236 = arith.index_cast %parallel_loop3A_191 : i32 to index
        %parallel_loop3A_237 = tpu.vector_load %arg10[%parallel_loop3A_235, %parallel_loop3A_236] {strides = array<i32>} : memref<8x2048xf32, #tpu.memory_space<vmem>>, vector<16xf32>,
        tpu.vector_store %arg10[%parallel_loop3A_235, %parallel_loop3A_236], %parallel_loop3A_205 {strides = array<i32>} : memref<8x2048xf32, #tpu.memory_space<vmem>>, vector<16xf32>,
        %parallel_loop3A_238 = arith.constant 3 : i32
        %parallel_loop3A_239 = arith.index_cast %parallel_loop3A_238 : i32 to index
        %parallel_loop3A_240 = arith.index_cast %parallel_loop3A_191 : i32 to index
        %parallel_loop3A_241 = tpu.vector_load %arg10[%parallel_loop3A_239, %parallel_loop3A_240] {strides = array<i32>} : memref<8x2048xf32, #tpu.memory_space<vmem>>, vector<16xf32>,
        tpu.vector_store %arg10[%parallel_loop3A_239, %parallel_loop3A_240], %parallel_loop3A_209 {strides = array<i32>} : memref<8x2048xf32, #tpu.memory_space<vmem>>, vector<16xf32>,
        %parallel_loop3A_242 = arith.constant 4 : i32
        %parallel_loop3A_243 = arith.index_cast %parallel_loop3A_242 : i32 to index
        %parallel_loop3A_244 = arith.index_cast %parallel_loop3A_191 : i32 to index
        %parallel_loop3A_245 = tpu.vector_load %arg10[%parallel_loop3A_243, %parallel_loop3A_244] {strides = array<i32>} : memref<8x2048xf32, #tpu.memory_space<vmem>>, vector<16xf32>,
        tpu.vector_store %arg10[%parallel_loop3A_243, %parallel_loop3A_244], %parallel_loop3A_213 {strides = array<i32>} : memref<8x2048xf32, #tpu.memory_space<vmem>>, vector<16xf32>,
        %parallel_loop3A_246 = arith.constant 5 : i32
        %parallel_loop3A_247 = arith.index_cast %parallel_loop3A_246 : i32 to index
        %parallel_loop3A_248 = arith.index_cast %parallel_loop3A_191 : i32 to index
        %parallel_loop3A_249 = tpu.vector_load %arg10[%parallel_loop3A_247, %parallel_loop3A_248] {strides = array<i32>} : memref<8x2048xf32, #tpu.memory_space<vmem>>, vector<16xf32>,
        tpu.vector_store %arg10[%parallel_loop3A_247, %parallel_loop3A_248], %parallel_loop3A_217 {strides = array<i32>} : memref<8x2048xf32, #tpu.memory_space<vmem>>, vector<16xf32>,
        %parallel_loop3A_250 = arith.constant 6 : i32
        %parallel_loop3A_251 = arith.index_cast %parallel_loop3A_250 : i32 to index
        %parallel_loop3A_252 = arith.index_cast %parallel_loop3A_191 : i32 to index
        %parallel_loop3A_253 = tpu.vector_load %arg10[%parallel_loop3A_251, %parallel_loop3A_252] {strides = array<i32>} : memref<8x2048xf32, #tpu.memory_space<vmem>>, vector<16xf32>,
        tpu.vector_store %arg10[%parallel_loop3A_251, %parallel_loop3A_252], %parallel_loop3A_221 {strides = array<i32>} : memref<8x2048xf32, #tpu.memory_space<vmem>>, vector<16xf32>,
        %parallel_loop3A_254 = arith.constant 7 : i32
        %parallel_loop3A_255 = arith.index_cast %parallel_loop3A_254 : i32 to index
        %parallel_loop3A_256 = arith.index_cast %parallel_loop3A_191 : i32 to index
        %parallel_loop3A_257 = tpu.vector_load %arg10[%parallel_loop3A_255, %parallel_loop3A_256] {strides = array<i32>} : memref<8x2048xf32, #tpu.memory_space<vmem>>, vector<16xf32>,
        tpu.vector_store %arg10[%parallel_loop3A_255, %parallel_loop3A_256], %parallel_loop3A_225 {strides = array<i32>} : memref<8x2048xf32, #tpu.memory_space<vmem>>, vector<16xf32>,
      } {sc.loop_unroll_factor = 1 : i64, sc.parallel_access}
      %mul3A_182 = arith.constant 8 : i32
      %mul3A_183 = arith.muli %add3A_173, %mul3A_182 : i32
      %add3A_184 = arith.addi %add3A, %mul3A_183 : i32
      %dma_start3A_185 = arith.constant 0 : i32
      %dma_start3A_186 = tpu.memref_slice %arg4[%add3A_184, %dma_start3A_185] : memref<32768x2048xf32, #tpu.memory_space<hbm>> -> memref<8x2048xf32, #tpu.memory_space<hbm>>
      %dma_start3A_187 = arith.constant 0 : i32
      %dma_start3A_188 = tpu.memref_slice %arg4[%add3A_184, %dma_start3A_187] : memref<32768x2048xf32, #tpu.memory_space<hbm>> -> memref<8x2048xf32, #tpu.memory_space<hbm>>
      tpu.enqueue_dma source(%arg10 : memref<8x2048xf32, #tpu.memory_space<vmem>>) target(%dma_start3A_188 : memref<8x2048xf32, #tpu.memory_space<hbm>>) target_semaphore(%arg11 : memref<!tpu.dma_semaphore, #tpu.memory_space<semaphore_mem>>)
    }
    %scan3A_60 = arith.constant 31 : i32
    %dma_wait3A = arith.constant 0 : i32
    %dma_wait3A_61 = arith.constant 0 : i32
    %dma_wait3A_62 = tpu.memref_slice %arg4[%dma_wait3A, %dma_wait3A_61] : memref<32768x2048xf32, #tpu.memory_space<hbm>> -> memref<8x2048xf32, #tpu.memory_space<hbm>>
    %dma_wait3A_63 = arith.constant 0 : i32
    %dma_wait3A_64 = arith.constant 0 : i32
    %dma_wait3A_65 = tpu.memref_slice %arg4[%dma_wait3A_63, %dma_wait3A_64] : memref<32768x2048xf32, #tpu.memory_space<hbm>> -> memref<8x2048xf32, #tpu.memory_space<hbm>>
    tpu.wait_dma2 semaphore(%arg11 : memref<!tpu.dma_semaphore, #tpu.memory_space<semaphore_mem>>) src(%dma_wait3A_65 : memref<8x2048xf32, #tpu.memory_space<hbm>>) dst(%arg7 : memref<8x2048xf32, #tpu.memory_space<vmem>>)
    %dma_wait3A_66 = arith.constant 0 : i32
    %dma_wait3A_67 = arith.constant 0 : i32
    %dma_wait3A_68 = tpu.memref_slice %arg4[%dma_wait3A_66, %dma_wait3A_67] : memref<32768x2048xf32, #tpu.memory_space<hbm>> -> memref<8x2048xf32, #tpu.memory_space<hbm>>
    %dma_wait3A_69 = arith.constant 0 : i32
    %dma_wait3A_70 = arith.constant 0 : i32
    %dma_wait3A_71 = tpu.memref_slice %arg4[%dma_wait3A_69, %dma_wait3A_70] : memref<32768x2048xf32, #tpu.memory_space<hbm>> -> memref<8x2048xf32, #tpu.memory_space<hbm>>
    tpu.wait_dma2 semaphore(%arg11 : memref<!tpu.dma_semaphore, #tpu.memory_space<semaphore_mem>>) src(%dma_wait3A_71 : memref<8x2048xf32, #tpu.memory_space<hbm>>) dst(%arg8 : memref<8x2048xf32, #tpu.memory_space<vmem>>)
    %dma_wait3A_72 = arith.constant 0 : i32
    %dma_wait3A_73 = arith.constant 0 : i32
    %dma_wait3A_74 = tpu.memref_slice %arg4[%dma_wait3A_72, %dma_wait3A_73] : memref<32768x2048xf32, #tpu.memory_space<hbm>> -> memref<8x2048xf32, #tpu.memory_space<hbm>>
    %dma_wait3A_75 = arith.constant 0 : i32
    %dma_wait3A_76 = arith.constant 0 : i32
    %dma_wait3A_77 = tpu.memref_slice %arg4[%dma_wait3A_75, %dma_wait3A_76] : memref<32768x2048xf32, #tpu.memory_space<hbm>> -> memref<8x2048xf32, #tpu.memory_space<hbm>>
    tpu.wait_dma2 semaphore(%arg11 : memref<!tpu.dma_semaphore, #tpu.memory_space<semaphore_mem>>) src(%dma_wait3A_77 : memref<8x2048xf32, #tpu.memory_space<hbm>>) dst(%arg9 : memref<8x2048xf32, #tpu.memory_space<vmem>>)
    %dma_wait3A_78 = arith.constant 0 : i32
    %dma_wait3A_79 = arith.constant 0 : i32
    %dma_wait3A_80 = tpu.memref_slice %arg4[%dma_wait3A_78, %dma_wait3A_79] : memref<32768x2048xf32, #tpu.memory_space<hbm>> -> memref<8x2048xf32, #tpu.memory_space<hbm>>
    %dma_wait3A_81 = arith.constant 0 : i32
    %dma_wait3A_82 = arith.constant 0 : i32
    %dma_wait3A_83 = tpu.memref_slice %arg4[%dma_wait3A_81, %dma_wait3A_82] : memref<32768x2048xf32, #tpu.memory_space<hbm>> -> memref<8x2048xf32, #tpu.memory_space<hbm>>
    tpu.wait_dma2 semaphore(%arg11 : memref<!tpu.dma_semaphore, #tpu.memory_space<semaphore_mem>>) src(%dma_wait3A_83 : memref<8x2048xf32, #tpu.memory_space<hbm>>) dst(%arg10 : memref<8x2048xf32, #tpu.memory_space<vmem>>)
    "tpu.trace_stop"() : () -> ()
    return
  }
}

</mosaic_0001>

<sc_bundles>
// kernel: kernel.3.cloned.1.call-start
scs
__scs_entry_jumppad:
0x0: {  	(pc) =	sbr.rel $0x88, $3  }
0x1: {  	(tag) =	ssettag $0x0;
	lr =	simm.s32 $0x1  }
0x2: {  	[smem:$0x3FA0] =	sst lr;
	_ =	strace $0xD0000000  }
0x3: {  	_ = 	snop  }
0x4: {  	_ = 	snop  }
0x5: {  	_ = 	snop  }
0x6: {  	_ = 	snop  }
0x7: {  	_ = 	snop  }
__scs_overlays_trampoline_lowered:
0x8: {  	[smem:$0x3FAF] =	sst s0  }
0x9: {  	[smem:$0x3FB0] =	sst s1  }
0xa: {  	[smem:$0x3FB1] =	sst s2  }
0xb: {  	[smem:$0x3FB2] =	sst s3  }
0xc: {  	[smem:$0x3FB3] =	sst s4  }
0xd: {  	[smem:$0x3FB4] =	sst s5  }
0xe: {  	[smem:$0x3FB5] =	sst s6  }
0xf: {  	[smem:$0x3FB6] =	sst s7  }
0x10: {  	[smem:$0x3FB7] =	sst s8  }
0x11: {  	[smem:$0x3FB8] =	sst s9;
	s0 =	simm.s32 @!p0 $0x0  }
0x12: {  	s1 =	sld [smem:$0x3F9E];
	s0 =	simm.s32 @p0 $0x1  }
0x13: {  	[smem:$0x3FB9] =	sst s0;
	s0 =	simm.s32 @!p1 $0x0  }
0x14: {  	s2 =	sld [smem:$0x3F9D];
	s0 =	simm.s32 @p1 $0x1  }
0x15: {  	[smem:$0x3FBA] =	sst s0;
	s0 =	simm.s32 @!p2 $0x0  }
0x16: {  	s3 =	sld [smem:$0x3FDB];
	s0 =	simm.s32 @p2 $0x1  }
0x17: {  	s4 =	simm.s32 $0x1BF5;
	[smem:$0x3FBC] =	sst s0  }
0x18: {  	s0 =	sld [smem:$0x3F9F];
	_ =	swait.ge [sflag:s4], $0x0  }
0x19: {  	s7 =	sld [smem:$0x3FA0]  }
0x1a: {  	s8 =	sadd.s32 $0xFFFFE003, lr  }
0x1b: {  	s9 =	sadd.s32 $0xFFFFFEF7, lr;
	s5 =	simm.s32 $0xFFFFFFFF;
	p2 =	slt.u32 s8, $0xFFFFF086  }
0x1c: {  	p1 =	slt.u32 s9, $0xF7A;
	s5 =	simm.s32 @!p2 $0x0  }
0x1d: {  	s5 =	simm.s32 @p1 $0x1;
	p0 =	seq.s32 s7, s2  }
0x1e: {  	s7 =	smul.u32 @!p0 $0xF7A, s2;
	p2 =	seq.s32 @!p0 s5, $0x0  }
0x1f: {  	s9 =	smul.u32 $0xF7A, s1;
	s8 =	simm.s32 @!p0 $0x1BF5;
	p2 =	por !p2, p0  }
0x20: {  	[sflag:s8] =	ssyncset.s32 @!p0 $0xFFFFF086;
	s6 =	sadd.s32 @!p0 s3, s7;
	s7 =	simm.s32 @!p0 $0x108  }
0x21: {  	s3 =	sadd.s32 s3, s9;
	s6 =	sadd.s32 @!p0 $0x88, s6;
	s7 =	simm.s32 @p2 $0x1082  }
0x22: {  	[simem:s7], [sflag:s8] =	dma.local @!p0 [hbm:s6], $0xF7A  }
0x23: {  	s9 =	sor.u32 $0xD0000000, s2;
	s6 =	simm.s32 $0x108;
	_ =	swait.ge @!p0 [sflag:s8], $0x0  }
0x24: {  	s3 =	sadd.s32 $0x88, s3;
	s6 =	simm.s32 @!p1 $0x1082;
	[sflag:s4] =	ssyncset.s32 $0xFFFFF086  }
0x25: {  	[simem:s6], [sflag:s4] =	dma.local [hbm:s3], $0xF7A  }
0x26: {  	[smem:$0x3FA0] =	sst s1;
	(tag) =	ssettag s2;
	_ =	strace s9  }
0x27: {  	s1 =	sld [smem:$0x3FB0]  }
0x28: {  	s2 =	sld [smem:$0x3FB1]  }
0x29: {  	s4 =	sld [smem:$0x3FB3]  }
0x2a: {  	p0 =	seq.s32 s5, $0x0;
	s5 =	sld [smem:$0x3FB4]  }
0x2b: {  	s6 =	sld [smem:$0x3FB5]  }
0x2c: {  	s7 =	sld [smem:$0x3FB6]  }
0x2d: {  	s3 =	simm.s32 $0x108;
	s8 =	sld [smem:$0x3FB7]  }
0x2e: {  	s3 =	simm.s32 @!p0 $0x1082;
	s9 =	sld [smem:$0x3FB8]  }
0x2f: {  	lr =	sadd.s32 s0, s3;
	s0 =	sld [smem:$0x3FAF]  }
0x30: {  	s3 =	sld [smem:$0x3FB2]  }
0x31: {  	[smem:$0x3FBB] =	sst s10  }
0x32: {  	s10 =	sld [smem:$0x3FB9];
	_ =	sdelay $0x3  }
0x33: {  	p0 =	seq.s32 s10, $0x1;
	s10 =	sld [smem:$0x3FBB];
	_ =	sdelay $0x3  }
0x34: {  	[smem:$0x3FBB] =	sst s10  }
0x35: {  	s10 =	sld [smem:$0x3FBA];
	_ =	sdelay $0x3  }
0x36: {  	p1 =	seq.s32 s10, $0x1;
	s10 =	sld [smem:$0x3FBB];
	_ =	sdelay $0x3  }
0x37: {  	[smem:$0x3FBB] =	sst s10  }
0x38: {  	s10 =	sld [smem:$0x3FBC]  }
0x39: {  	_ = 	snop;
	(pc) =	sbr.ind lr, $3  }
0x3a: {  	_ = 	snop  }
0x3b: {  	_ = 	snop  }
0x3c: {  	p2 =	seq.s32 s10, $0x1;
	s10 =	sld [smem:$0x3FBB]  }
0x3d: {  	_ =	shalt  }
0x3e: {  	_ =	shalt  }
0x3f: {  	_ =	shalt  }
0x40: {  	_ =	shalt  }
0x41: {  	_ =	shalt  }
0x42: {  	_ =	shalt  }
0x43: {  	_ =	shalt  }
0x44: {  	_ =	shalt  }
0x45: {  	_ =	shalt  }
0x46: {  	_ =	shalt  }
0x47: {  	_ =	shalt  }
0x48: {  	_ =	shalt  }
0x49: {  	_ =	shalt  }
0x4a: {  	_ =	shalt  }
0x4b: {  	_ =	shalt  }
0x4c: {  	_ =	shalt  }
0x4d: {  	_ =	shalt  }
0x4e: {  	_ =	shalt  }
0x4f: {  	_ =	shalt  }
0x50: {  	_ =	shalt  }
0x51: {  	_ =	shalt  }
0x52: {  	_ =	shalt  }
0x53: {  	_ =	shalt  }
0x54: {  	_ =	shalt  }
0x55: {  	_ =	shalt  }
0x56: {  	_ =	shalt  }
0x57: {  	_ =	shalt  }
0x58: {  	_ =	shalt  }
0x59: {  	_ =	shalt  }
0x5a: {  	_ =	shalt  }
0x5b: {  	_ =	shalt  }
0x5c: {  	_ =	shalt  }
0x5d: {  	_ =	shalt  }
0x5e: {  	_ =	shalt  }
0x5f: {  	_ =	shalt  }
0x60: {  	_ =	shalt  }
0x61: {  	_ =	shalt  }
0x62: {  	_ =	shalt  }
0x63: {  	_ =	shalt  }
0x64: {  	_ =	shalt  }
0x65: {  	_ =	shalt  }
0x66: {  	_ =	shalt  }
0x67: {  	_ =	shalt  }
0x68: {  	_ =	shalt  }
0x69: {  	_ =	shalt  }
0x6a: {  	_ =	shalt  }
0x6b: {  	_ =	shalt  }
0x6c: {  	_ =	shalt  }
0x6d: {  	_ =	shalt  }
0x6e: {  	_ =	shalt  }
0x6f: {  	_ =	shalt  }
0x70: {  	_ =	shalt  }
0x71: {  	_ =	shalt  }
0x72: {  	_ =	shalt  }
0x73: {  	_ =	shalt  }
0x74: {  	_ =	shalt  }
0x75: {  	_ =	shalt  }
0x76: {  	_ =	shalt  }
0x77: {  	_ =	shalt  }
0x78: {  	_ =	shalt  }
0x79: {  	_ =	shalt  }
0x7a: {  	_ =	shalt  }
0x7b: {  	_ =	shalt  }
0x7c: {  	_ =	shalt  }
0x7d: {  	_ =	shalt  }
0x7e: {  	_ =	shalt  }
0x7f: {  	_ =	shalt  }
0x80: {  	_ =	shalt  }
0x81: {  	_ =	shalt  }
0x82: {  	_ =	shalt  }
0x83: {  	_ =	shalt  }
0x84: {  	_ =	shalt  }
0x85: {  	_ =	shalt  }
0x86: {  	_ =	shalt  }
0x87: {  	_ =	shalt  }
.Lfunc_end0:
.L_simem_size_0:
called_computation_lowered:
.L_overlay_start_0:
0x88: {  	s2 =	sld [smem:$0x3FD9]  }
0x89: {  	s3 =	sld [smem:$0x3FFE];
	_ =	sdelay $0x1  }
0x8a: {  	s1 =	srdreg.scid  }
0x8b: {  	s0 =	sand.u32 $0x1, s1  }
0x8c: {  	s17 =	sshll.u32 s0, $0xA;
	s2 =	sadd.s32 s3, s2  }
0x8d: {  	s2 =	sadd.s32 s2, s17  }
0x8e: {  	[smem:$0x3FC7] =	sst s2  }
0x8f: {  	_ = 	snop  }
0x90: {  	s2 =	sld [smem:$0x3FD0];
	(tm) =	ssettm $0x1  }
0x91: {  	s18 =	sld [smem:$0x3FFB];
	_ =	sdelay $0x3  }
0x92: {  	_ =	strace s18  }
0x93: {  	s3 =	sld [smem:$0x3FFC];
	_ =	sdelay $0x3  }
0x94: {  	_ =	strace s3  }
0x95: {  	s3 =	sld [smem:$0x3FFD];
	_ =	sdelay $0x3  }
0x96: {  	_ =	strace s3  }
0x97: {  	_ =	strace $0x8FFFFFFF  }
0x98: {  	s19 =	sld [smem:$0x3FDB];
	_ =	sdelay $0x1  }
0x99: {  	s4 =	simm.s32 $_scs_section_size  }
0x9a: {  	s5 =	simm.s32 $_size__tile_overlayer_lowered;
	s6 =	simm.s32 $_tile_overlayer_lowered  }
0x9b: {  	s22 =	simm.s32 $0x1BFF;
	s21 =	sshll.u32 s6, $0x1;
	s3 =	sadd.s32 s4, s19  }
0x9c: {  	s7 =	simm.s32 $0x0;
	s20 =	sshll.u32 s5, $0x1;
	s5 =	sadd.s32 s21, s3  }
0x9d: {  	[timem:s7], [sflag:s22] =	dma.local [hbm:s5], s20  }
0x9e: {  	_ =	swait.ge [sflag:s22], s20  }
0x9f: {  	s4 =	ssub.s32 $0x0, s20;
	[sflag:s22] =	ssyncset.done $0x0  }
0xa0: {  	[sflag:s22] =	ssyncadd.s32 s4;
	_ =	sdelay $0x1  }
0xa1: {  	s23 =	simm.s32 $0x1B8B  }
0xa2: {  	_ =	swait.ge [sflag:s23], $0x1  }
0xa3: {  	[sflag:s23] =	ssyncset.done $0x0  }
0xa4: {  	s25 =	simm.s32 $0x1B8E;
	s24 =	sld [smem:$0x3FFE];
	[sflag:s23] =	ssyncadd.s32 $0xFFFFFFFF  }
0xa5: {  	s26 =	simm.s32 $execute0_lowered;
	[smem:$0x3FD2] =	sst s25  }
0xa6: {  	s5 =	sshll.u32 s26, $0x1;
	_ =	strace $0x80000046;
	[dreg:$0x1] =	wrdreg $0xFFFFFFFF  }
0xa7: {  	s28 =	simm.s32 $_size_execute0_lowered;
	s3 =	sadd.s32 s3, s5;
	[dreg:$0x0] =	wrdreg $0x0  }
0xa8: {  	s5 =	sshll.u32 s28, $0x1;
	[dreg:$0x2] =	wrdreg s3  }
0xa9: {  	[dreg:$0x3] =	wrdreg s5  }
0xaa: {  	[dreg:$0x4] =	wrdreg $0xC0  }
0xab: {  	_ =	task [dreg:s7], $0x5FFFF  }
0xac: {  	[dreg:$0x1] =	wrdreg $0xFFFFFFFF  }
0xad: {  	[dreg:$0x0] =	wrdreg $0x60  }
0xae: {  	[dreg:$0x2] =	wrdreg s24  }
0xaf: {  	[dreg:$0x3] =	wrdreg s2  }
0xb0: {  	[dreg:$0x4] =	wrdreg $0x9  }
0xb1: {  	_ =	task.clear_ibuf [dreg:s7], $0x5FFFF;
	_ =	strace $0x90000046  }
0xb2: {  	s29 =	simm.s32 $0x9;
	_ =	strace $0x8000004A  }
0xb3: {  	_ =	swait.ge [sflag:s29], $0x1  }
0xb4: {  	[sflag:s29] =	ssyncadd.s32 $0xFFFFFFFF  }
0xb5: {  	_ =	strace $0x9000004A  }
0xb6: {  	_ =	sfence  }
0xb7: {  	s30 =	sld [smem:$0x0];
	_ =	sdelay $0x2  }
0xb8: {  	s31 =	sshll.u32 s1, $0xD;
	s1 =	sshrl.u32 s1, $0x2  }
0xb9: {  	s3 =	sand.u32 $0x4000, s31;
	s1 =	sadd.s32 s1, s30  }
0xba: {  	s0 =	sor.u32 s3, s0;
	s1 =	sshll.u32 s1, $0x11  }
0xbb: {  	s0 =	sor.u32 s1, s0  }
0xbc: {  	s0 =	sadd.s32 $0x8F2B, s0  }
0xbd: {  	[sflag:s0] =	ssyncadd.remote.s32 $0x1  }
0xbe: {  	_ =	sfence.sel $0xFFFF  }
0xbf: {  	[dreg:$0x0] =	wrdreg $0xFFFFFFFF;
	(pc) =	sbr.abs _section_cstart, $3  }
0xc0: {  	[dreg:$0x1] =	wrdreg $0xFFFFFFFF  }
0xc1: {  	_ =	task.clear_ibuf [dreg:s7], $0x2FFFF;
	_ =	strace $0x9FFFFFFF  }
0xc2: {  	(tm) =	ssettm $0x7FFFFFFF  }
0xc3: {  	_ =	shalt  }
tec
execute0_lowered:
.L_overlay_start_1:
0x0: {  	(tag) =	ssettag $0x1  }
0x1: {  	s0 =	rddreg [dreg:$0x0]  }
0x2: {  	s1 =	rddreg [dreg:$0x1]  }
0x3: {  	s2 =	simm.s32 $0x0;
	s3 =	srdreg.scid;
	s7 =	stileid.u32  }
0x4: {  	s28 =	simm.s32 $0x14200;
	s29 =	simm.s32 $0x1;
	s31 =	simm.s32 $0x0  }
0x5: {  	[smem:$0x7FF] =	sst s2;
	s4 =	sadd.s32 $0x400, s0;
	s3 =	sand.u32 $0x1, s3  }
0x6: {  	s6 =	sshll.u32 s7, $0xB;
	s0 =	sadd.s32 $0x600, s0;
	s14 =	sshll.u32 s7, $0x5  }
0x7: {  	_ =	strace $0x80000047;
	[dreg:$0x3] =	wrdreg s4;
	s12 =	ssub.s32 $0x2, s3  }
0x8: {  	s5 =	sshll.u32 s3, $0xA;
	[dreg:$0x4] =	wrdreg s0;
	s3 =	sshll.u32 s3, $0xC  }
0x9: {  	s13 =	sshrl.u32 s12, $0x1;
	s6 =	sor.u32 s5, s6;
	s20 =	sxor.u32 $0x7D8, s5  }
0xa: {  	s16 =	sshrl.u32 s3, $0x2;
	s22 =	sxor.u32 $0x7D0, s5;
	[dreg:$0xb] =	wrdreg s20  }
0xb: {  	s3 =	ssub.s32 $0x0, s3;
	s24 =	sxor.u32 $0x7C8, s5;
	[dreg:$0xd] =	wrdreg s22  }
0xc: {  	s26 =	sxor.u32 $0x7C0, s5;
	s8 =	sshll.u32 s6, $0x8;
	[dreg:$0xf] =	wrdreg s24  }
0xd: {  	s0 =	ssub.s32 s12, s13;
	[dreg:$0x11] =	wrdreg s26;
	s9 =	sadd.s32 s1, s8  }
0xe: {  	s17 =	sxor.u32 $0x7F8, s16;
	s0 =	smax.u32 s0, $0x1;
	[dreg:$0x5] =	wrdreg s9  }
0xf: {  	s21 =	sxor.u32 $0x7D8, s16;
	s18 =	sadd.s32 $0x200, s17;
	[dreg:$0x9] =	wrdreg s0  }
0x10: {  	s19 =	sshra.s32 s3, $0x2;
	s3 =	sadd.s32 $0x200, s21;
	[dreg:$0xa] =	wrdreg s18  }
0x11: {  	s7 =	sxor.u32 $0x7F8, s5;
	s8 =	sadd.s32 $0x800, s9;
	[dreg:$0xc] =	wrdreg s3  }
0x12: {  	s23 =	sxor.u32 $0x7D0, s16;
	s15 =	sadd.s32 $0x1000, s9;
	[dreg:$0x6] =	wrdreg s8  }
0x13: {  	s9 =	sadd.s32 $0x1800, s9;
	s0 =	sor.u32 $0x200, s19;
	[dreg:$0x7] =	wrdreg s15  }
0x14: {  	s25 =	sxor.u32 $0x7C8, s16;
	s3 =	sadd.s32 $0x200, s23;
	[dreg:$0x8] =	wrdreg s9;
	v1 =	vmov s0  }
0x15: {  	s30 =	sxor.u32 $0x7C0, s16;
	[dreg:$0xe] =	wrdreg s3;
	s3 =	sadd.s32 $0x200, s25  }
0x16: {  	s26 =	simm.s32 $0x10200;
	[dreg:$0x10] =	wrdreg s3;
	s3 =	sadd.s32 $0x200, s30  }
0x17: {  	v0 =	vmov s14;
	s25 =	simm.s32 $0xC200;
	[dreg:$0x12] =	wrdreg s3;
	s3 =	simm.s32 $0x0  }
.LBB2_1:
0x18: {  	[dreg:$0x13] =	wrdreg s3  }
0x19: {  	s0 =	rddreg [dreg:$0x3];
	s24 =	simm.s32 $0x2  }
0x1a: {  	[tilespmem:s2], [sflag:$0x2] =	stream.linear.gather [hbm4b:s0+s2], $0x200, $0x38;
	[tilespmem:$0x18200] =	vst v63  }
0x1b: {  	_ =	swait.ge [sflag:s24], $0x200  }
0x1c: {  	[sflag:s24] =	ssyncset.done $0x0  }
0x1d: {  	s4 =	simm.s32 $0x200;
	s30 =	rddreg [dreg:$0x4];
	[sflag:s24] =	ssyncadd.s32 $0xFFFFFE00  }
0x1e: {  	[tilespmem:s4], [sflag:$0x2] =	stream.linear.gather [hbm4b:s30+s2], $0x8000, $0x38;
	[tilespmem:$0x18200] =	vst v63  }
0x1f: {  	_ =	swait.ge [sflag:s24], $0x8000  }
0x20: {  	[sflag:s24] =	ssyncset.done $0x0  }
0x21: {  	[sflag:s24] =	ssyncadd.s32 $0xFFFF8000  }
0x22: {  	s3 =	simm.s32 $0x0;
	_ =	strace $0x80000048  }
0x23: {  	v2 =	vld [tilespmem:s3+$0x200];
	_ =	sdelay $0x4  }
0x24: {  	s4 =	simm.s32 $0x10;
	v2 =	vadd.s32 v0, v2  }
0x25: {  	v3 =	vld [tilespmem:s4+$0x200];
	_ =	sdelay $0x3  }
0x26: {  	s5 =	simm.s32 $0x80;
	v2 =	vld.idx.msk [tilespmem:v2+s2+$0x0], $0xffff  }
.LBB2_2:
0x27: {  	s0 =	sshra.s32 s5, $0x2;
	p0 =	sne.s32 s5, $0x1FFC0;
	s5 =	sadd.s32 $0x40, s5;
	v4 =	vadd.s32 v0, v3  }
.Ltmp0:
0x28: {  	v3 =	vld [tilespmem:s0+$0x200];
	(pc) =	sbr.rel @p0 .LBB2_2-.Ltmp0, $2  }
0x29: {  	_ =	sdelay $0x2  }
0x2a: {  	[tilespmem:s3+$0x200] =	vst v2;
	v2 =	vld.idx.msk [tilespmem:v4+s2+$0x0], $0xffff;
	s3 =	smov.u32 s4;
	s4 =	smov.u32 s0  }
0x2b: {  	v3 =	vadd.s32 v0, v3;
	_ =	sdelay $0x4  }
0x2c: {  	v3 =	vld.idx.msk [tilespmem:v3+s2+$0x0], $0xffff;
	_ =	sdelay $0x3  }
0x2d: {  	[tilespmem:s3+$0x200] =	vst v2  }
0x2e: {  	[tilespmem:s4+$0x200] =	vst v3  }
0x2f: {  	s0 =	sadd.s32 $0x0, s7;
	_ =	strace $0x90000048  }
0x30: {  	s0 =	sand.u32 $0xFF8, s0;
	_ =	strace $0x80000049  }
0x31: {  	v5 =	vld [tilespmem:s0+$0x1200]  }
0x32: {  	v4 =	vld [tilespmem:s0+$0x2200]  }
0x33: {  	v7 =	vld [tilespmem:s0+$0x3200]  }
0x34: {  	v8 =	vld [tilespmem:s0+$0x4200]  }
0x35: {  	v10 =	vld [tilespmem:s0+$0x5200]  }
0x36: {  	s22 =	simm.s32 $0x0;
	s9 =	sadd.s32 $0x10, s7;
	v11 =	vld [tilespmem:s0+$0x6200]  }
0x37: {  	s23 =	sand.u32 $0x70, s22;
	s5 =	sand.u32 $0x3C00, s22;
	s9 =	sand.u32 $0xFF8, s9;
	v3 =	vld [tilespmem:s0+$0x7200]  }
0x38: {  	s12 =	sor.u32 s23, s5;
	s8 =	rddreg [dreg:$0xa];
	v9 =	vld [tilespmem:s9+$0x1200]  }
0x39: {  	v6 =	vld [tilespmem:s8+$0x0];
	s8 =	sadd.s32 $0x10, s8;
	[tilespmem:s12+$0x8380] =	vst v7  }
0x3a: {  	v2 =	vld [tilespmem:s8+$0x0];
	[tilespmem:s12+$0x8300] =	vst v4  }
0x3b: {  	v4 =	vld [tilespmem:s9+$0x2200];
	[tilespmem:s12+$0x8400] =	vst v8  }
0x3c: {  	s24 =	simm.s32 $0x10;
	s3 =	sand.u32 $0x7, s22;
	v7 =	vld [tilespmem:s9+$0x3200];
	[tilespmem:s12+$0x8280] =	vst v5  }
0x3d: {  	s11 =	simm.s32 $0x20;
	s10 =	simm.s32 $0x1;
	s3 =	sshll.u32 s3, $0x4;
	v8 =	vld [tilespmem:s9+$0x4200];
	[tilespmem:s12+$0x8480] =	vst v10  }
0x3e: {  	s5 =	simm.s32 $0x80;
	s30 =	sadd.s32 $0x0, s3;
	s3 =	sand.u32 $0x70, s24;
	v5 =	vld [tilespmem:s9+$0x5200];
	[tilespmem:s12+$0x8500] =	vst v11  }
0x3f: {  	s0 =	sand.u32 $0x3C00, s5;
	s4 =	sadd.s32 $0x10, s8;
	s8 =	sor.u32 $0x380, s30;
	[tilespmem:s12+$0x8200] =	vst v6;
	v6 =	vld [tilespmem:s9+$0x6200]  }
.LBB2_4:
0x40: {  	s12 =	sadd.s32 s11, s7  }
0x41: {  	s13 =	sor.u32 s3, s0;
	[tilespmem:s8+$0x8200] =	vst v3;
	v3 =	vld [tilespmem:s9+$0x7200];
	s0 =	smov.u32 s11;
	s14 =	sadd.s32 $0x10, s11  }
0x42: {  	p0 =	sne.s32 s11, $0x7F0;
	v10 =	vld [tilespmem:s4+$0x0];
	s9 =	sand.u32 $0xFF8, s12;
	[tilespmem:s13+$0x8380] =	vst v7  }
0x43: {  	v11 =	vld [tilespmem:s9+$0x1200];
	[tilespmem:s13+$0x8300] =	vst v4  }
.Ltmp1:
0x44: {  	v4 =	vld [tilespmem:s9+$0x2200];
	[tilespmem:s13+$0x8400] =	vst v8;
	(pc) =	sbr.rel @p0 .LBB2_4-.Ltmp1, $4  }
0x45: {  	s3 =	sand.u32 $0x7, s10;
	v7 =	vld [tilespmem:s9+$0x3200];
	[tilespmem:s13+$0x8280] =	vst v9  }
0x46: {  	s10 =	sadd.s32 $0x1, s10;
	s3 =	sshll.u32 s3, $0x4;
	s4 =	sadd.s32 $0x10, s4;
	v8 =	vld [tilespmem:s9+$0x4200];
	[tilespmem:s13+$0x8480] =	vst v5  }
0x47: {  	s11 =	smov.u32 s14;
	s8 =	sadd.s32 s3, s5;
	s5 =	sadd.s32 $0x80, s5;
	v5 =	vld [tilespmem:s9+$0x5200];
	[tilespmem:s13+$0x8200] =	vst v2;
	v2 =	vmov v10  }
0x48: {  	s3 =	sand.u32 $0x70, s0;
	s0 =	sand.u32 $0x3C00, s5;
	s8 =	sor.u32 $0x380, s8;
	[tilespmem:s13+$0x8500] =	vst v6;
	v6 =	vld [tilespmem:s9+$0x6200];
	v9 =	vmov v11  }
0x49: {  	s0 =	sor.u32 s3, s0;
	[tilespmem:s8+$0x8200] =	vst v3  }
0x4a: {  	v10 =	vld [tilespmem:s9+$0x7200];
	[tilespmem:s0+$0x8380] =	vst v7  }
0x4b: {  	[tilespmem:s0+$0x8300] =	vst v4  }
0x4c: {  	[tilespmem:s0+$0x8280] =	vst v9  }
0x4d: {  	s19 =	sand.u32 $0x7, s10;
	[tilespmem:s0+$0x8200] =	vst v2  }
0x4e: {  	s3 =	sshll.u32 s19, $0x4;
	[tilespmem:s0+$0x8400] =	vst v8  }
0x4f: {  	s3 =	sadd.s32 s3, s5;
	[tilespmem:s0+$0x8480] =	vst v5  }
0x50: {  	s20 =	sor.u32 $0x380, s3;
	[tilespmem:s0+$0x8500] =	vst v6  }
0x51: {  	s21 =	simm.s32 $0x0;
	[tilespmem:s20+$0x8200] =	vst v10  }
0x52: {  	s4 =	simm.s32 $0x8200;
	s23 =	simm.s32 $0x0;
	s22 =	rddreg [dreg:$0x5]  }
0x53: {  	[hbm4b:s22+s21] =	stream.linear.scatter [tilespmem:s4], [sflag:$0x1], $0x4000, $0x200038;
	[tilespmem:$0x18200] =	vst v63  }
0x54: {  	v10 =	vld.idx.msk [tilespmem:v1+s23+$0x7F0 ss:$0x1], $0xffff  }
0x55: {  	v5 =	vld.idx.msk [tilespmem:v1+s23+$0x17F0 ss:$0x1], $0xffff  }
0x56: {  	v4 =	vld.idx.msk [tilespmem:v1+s23+$0x27F0 ss:$0x1], $0xffff  }
0x57: {  	v6 =	vld.idx.msk [tilespmem:v1+s23+$0x37F0 ss:$0x1], $0xffff  }
0x58: {  	v8 =	vld.idx.msk [tilespmem:v1+s23+$0x47F0 ss:$0x1], $0xffff  }
0x59: {  	v9 =	vld.idx.msk [tilespmem:v1+s23+$0x57F0 ss:$0x1], $0xffff  }
0x5a: {  	s24 =	sand.u32 $0x70, s21;
	s30 =	sand.u32 $0x3C00, s21;
	v11 =	vld.idx.msk [tilespmem:v1+s23+$0x67F0 ss:$0x1], $0xffff  }
0x5b: {  	s10 =	simm.s32 $0x10;
	s11 =	sor.u32 s24, s30;
	v3 =	vld.idx.msk [tilespmem:v1+s23+$0x77F0 ss:$0x1], $0xffff  }
0x5c: {  	v2 =	vld.idx.msk [tilespmem:v1+s10+$0x7F0 ss:$0x1], $0xffff;
	[tilespmem:s11+$0xC300] =	vst v4  }
0x5d: {  	v7 =	vld.idx.msk [tilespmem:v1+s10+$0x27F0 ss:$0x1], $0xffff;
	[tilespmem:s11+$0xC280] =	vst v5  }
0x5e: {  	v4 =	vld.idx.msk [tilespmem:v1+s10+$0x17F0 ss:$0x1], $0xffff;
	[tilespmem:s11+$0xC380] =	vst v6  }
0x5f: {  	s0 =	sand.u32 $0x7, s21;
	v5 =	vld.idx.msk [tilespmem:v1+s10+$0x37F0 ss:$0x1], $0xffff;
	[tilespmem:s11+$0xC400] =	vst v8  }
0x60: {  	s9 =	simm.s32 $0x10;
	s5 =	simm.s32 $0x80;
	s0 =	sshll.u32 s0, $0x4;
	v6 =	vld.idx.msk [tilespmem:v1+s10+$0x47F0 ss:$0x1], $0xffff;
	[tilespmem:s11+$0xC480] =	vst v9  }
0x61: {  	s3 =	simm.s32 $0x80;
	s8 =	sand.u32 $0x3C00, s5;
	s12 =	sadd.s32 $0x0, s0;
	v8 =	vld.idx.msk [tilespmem:v1+s10+$0x57F0 ss:$0x1], $0xffff;
	[tilespmem:s11+$0xC500] =	vst v11  }
0x62: {  	s0 =	sand.u32 $0x70, s9;
	s4 =	simm.s32 $0x1;
	v9 =	vld.idx.msk [tilespmem:v1+s10+$0x67F0 ss:$0x1], $0xffff;
	[tilespmem:s11+$0xC200] =	vst v10;
	s11 =	sor.u32 $0x380, s12  }
.LBB2_6:
0x63: {  	s12 =	sor.u32 s0, s8  }
0x64: {  	[tilespmem:s11+$0xC200] =	vst v3;
	v3 =	vld.idx.msk [tilespmem:v1+s10+$0x77F0 ss:$0x1], $0xffff;
	s10 =	sshra.s32 s3, $0x2;
	s0 =	smov.u32 s3;
	s13 =	sadd.s32 $0x40, s3  }
0x65: {  	p0 =	sne.s32 s3, $0x1FC0;
	v10 =	vld.idx.msk [tilespmem:v1+s10+$0x7F0 ss:$0x1], $0xffff;
	[tilespmem:s12+$0xC300] =	vst v7  }
0x66: {  	[tilespmem:s12+$0xC280] =	vst v4;
	v4 =	vld.idx.msk [tilespmem:v1+s10+$0x17F0 ss:$0x1], $0xffff  }
.Ltmp2:
0x67: {  	v7 =	vld.idx.msk [tilespmem:v1+s10+$0x27F0 ss:$0x1], $0xffff;
	[tilespmem:s12+$0xC380] =	vst v5;
	(pc) =	sbr.rel @p0 .LBB2_6-.Ltmp2, $4  }
0x68: {  	s0 =	sand.u32 $0x7, s4;
	v5 =	vld.idx.msk [tilespmem:v1+s10+$0x37F0 ss:$0x1], $0xffff;
	[tilespmem:s12+$0xC400] =	vst v6  }
0x69: {  	s9 =	sadd.s32 $0x10, s9;
	s4 =	sadd.s32 $0x1, s4;
	s0 =	sshll.u32 s0, $0x4;
	v6 =	vld.idx.msk [tilespmem:v1+s10+$0x47F0 ss:$0x1], $0xffff;
	[tilespmem:s12+$0xC480] =	vst v8  }
0x6a: {  	s3 =	sadd.s32 s0, s5;
	s5 =	sadd.s32 $0x80, s5;
	s0 =	sand.u32 $0x70, s9;
	v8 =	vld.idx.msk [tilespmem:v1+s10+$0x57F0 ss:$0x1], $0xffff;
	[tilespmem:s12+$0xC500] =	vst v9  }
0x6b: {  	s8 =	sand.u32 $0x3C00, s5;
	s11 =	sor.u32 $0x380, s3;
	s3 =	smov.u32 s13;
	v9 =	vld.idx.msk [tilespmem:v1+s10+$0x67F0 ss:$0x1], $0xffff;
	[tilespmem:s12+$0xC200] =	vst v2;
	v2 =	vmov v10  }
0x6c: {  	_ =	sdelay $0x2  }
0x6d: {  	s0 =	sor.u32 s0, s8;
	[tilespmem:s11+$0xC200] =	vst v3  }
0x6e: {  	v10 =	vld.idx.msk [tilespmem:v1+s10+$0x77F0 ss:$0x1], $0xffff;
	[tilespmem:s0+$0xC300] =	vst v7  }
0x6f: {  	[tilespmem:s0+$0xC280] =	vst v4  }
0x70: {  	[tilespmem:s0+$0xC380] =	vst v5  }
0x71: {  	s3 =	sand.u32 $0x7, s4;
	[tilespmem:s0+$0xC200] =	vst v2  }
0x72: {  	s3 =	sshll.u32 s3, $0x4;
	[tilespmem:s0+$0xC400] =	vst v6  }
0x73: {  	s3 =	sadd.s32 s3, s5;
	[tilespmem:s0+$0xC480] =	vst v8  }
0x74: {  	s19 =	sor.u32 $0x380, s3;
	[tilespmem:s0+$0xC500] =	vst v9  }
0x75: {  	[tilespmem:s19+$0xC200] =	vst v10  }
0x76: {  	s20 =	simm.s32 $0x0;
	s22 =	simm.s32 $0x0;
	s21 =	rddreg [dreg:$0x6]  }
0x77: {  	[hbm4b:s21+s20] =	stream.linear.scatter [tilespmem:s25], [sflag:$0x1], $0x4000, $0x200038;
	[tilespmem:$0x18200] =	vst v63  }
0x78: {  	v10 =	vld.idx.msk [tilespmem:v1+s22+$0x7E8 ss:$0x1], $0xffff  }
0x79: {  	v5 =	vld.idx.msk [tilespmem:v1+s22+$0x17E8 ss:$0x1], $0xffff  }
0x7a: {  	v4 =	vld.idx.msk [tilespmem:v1+s22+$0x27E8 ss:$0x1], $0xffff  }
0x7b: {  	v6 =	vld.idx.msk [tilespmem:v1+s22+$0x37E8 ss:$0x1], $0xffff  }
0x7c: {  	v8 =	vld.idx.msk [tilespmem:v1+s22+$0x47E8 ss:$0x1], $0xffff  }
0x7d: {  	v9 =	vld.idx.msk [tilespmem:v1+s22+$0x57E8 ss:$0x1], $0xffff  }
0x7e: {  	s23 =	sand.u32 $0x70, s20;
	s24 =	sand.u32 $0x3C00, s20;
	v11 =	vld.idx.msk [tilespmem:v1+s22+$0x67E8 ss:$0x1], $0xffff  }
0x7f: {  	s10 =	simm.s32 $0x10;
	s30 =	sor.u32 s23, s24;
	v3 =	vld.idx.msk [tilespmem:v1+s22+$0x77E8 ss:$0x1], $0xffff  }
0x80: {  	v2 =	vld.idx.msk [tilespmem:v1+s10+$0x7E8 ss:$0x1], $0xffff;
	[tilespmem:s30+$0x10300] =	vst v4  }
0x81: {  	v7 =	vld.idx.msk [tilespmem:v1+s10+$0x27E8 ss:$0x1], $0xffff;
	[tilespmem:s30+$0x10280] =	vst v5  }
0x82: {  	v4 =	vld.idx.msk [tilespmem:v1+s10+$0x17E8 ss:$0x1], $0xffff;
	[tilespmem:s30+$0x10380] =	vst v6  }
0x83: {  	s0 =	sand.u32 $0x7, s20;
	v5 =	vld.idx.msk [tilespmem:v1+s10+$0x37E8 ss:$0x1], $0xffff;
	[tilespmem:s30+$0x10400] =	vst v8  }
0x84: {  	s4 =	simm.s32 $0x1;
	s9 =	simm.s32 $0x10;
	s0 =	sshll.u32 s0, $0x4;
	v6 =	vld.idx.msk [tilespmem:v1+s10+$0x47E8 ss:$0x1], $0xffff;
	[tilespmem:s30+$0x10480] =	vst v9  }
0x85: {  	s5 =	simm.s32 $0x80;
	s3 =	simm.s32 $0x80;
	s12 =	sadd.s32 $0x0, s0;
	v8 =	vld.idx.msk [tilespmem:v1+s10+$0x57E8 ss:$0x1], $0xffff;
	[tilespmem:s30+$0x10500] =	vst v11  }
0x86: {  	s8 =	sand.u32 $0x3C00, s5;
	s0 =	sand.u32 $0x70, s9;
	s11 =	sor.u32 $0x380, s12;
	v9 =	vld.idx.msk [tilespmem:v1+s10+$0x67E8 ss:$0x1], $0xffff;
	[tilespmem:s30+$0x10200] =	vst v10  }
.LBB2_8:
0x87: {  	s12 =	sor.u32 s0, s8  }
0x88: {  	[tilespmem:s11+$0x10200] =	vst v3;
	v3 =	vld.idx.msk [tilespmem:v1+s10+$0x77E8 ss:$0x1], $0xffff;
	s10 =	sshra.s32 s3, $0x2;
	s0 =	smov.u32 s3;
	s13 =	sadd.s32 $0x40, s3  }
0x89: {  	p0 =	sne.s32 s3, $0x1FC0;
	v10 =	vld.idx.msk [tilespmem:v1+s10+$0x7E8 ss:$0x1], $0xffff;
	[tilespmem:s12+$0x10300] =	vst v7  }
0x8a: {  	[tilespmem:s12+$0x10280] =	vst v4;
	v4 =	vld.idx.msk [tilespmem:v1+s10+$0x17E8 ss:$0x1], $0xffff  }
.Ltmp3:
0x8b: {  	v7 =	vld.idx.msk [tilespmem:v1+s10+$0x27E8 ss:$0x1], $0xffff;
	[tilespmem:s12+$0x10380] =	vst v5;
	(pc) =	sbr.rel @p0 .LBB2_8-.Ltmp3, $4  }
0x8c: {  	s0 =	sand.u32 $0x7, s4;
	v5 =	vld.idx.msk [tilespmem:v1+s10+$0x37E8 ss:$0x1], $0xffff;
	[tilespmem:s12+$0x10400] =	vst v6  }
0x8d: {  	s9 =	sadd.s32 $0x10, s9;
	s4 =	sadd.s32 $0x1, s4;
	s0 =	sshll.u32 s0, $0x4;
	v6 =	vld.idx.msk [tilespmem:v1+s10+$0x47E8 ss:$0x1], $0xffff;
	[tilespmem:s12+$0x10480] =	vst v8  }
0x8e: {  	s3 =	sadd.s32 s0, s5;
	s5 =	sadd.s32 $0x80, s5;
	s0 =	sand.u32 $0x70, s9;
	v8 =	vld.idx.msk [tilespmem:v1+s10+$0x57E8 ss:$0x1], $0xffff;
	[tilespmem:s12+$0x10500] =	vst v9  }
0x8f: {  	s8 =	sand.u32 $0x3C00, s5;
	s11 =	sor.u32 $0x380, s3;
	s3 =	smov.u32 s13;
	v9 =	vld.idx.msk [tilespmem:v1+s10+$0x67E8 ss:$0x1], $0xffff;
	[tilespmem:s12+$0x10200] =	vst v2;
	v2 =	vmov v10  }
0x90: {  	_ =	sdelay $0x2  }
0x91: {  	s0 =	sor.u32 s0, s8;
	[tilespmem:s11+$0x10200] =	vst v3  }
0x92: {  	v10 =	vld.idx.msk [tilespmem:v1+s10+$0x77E8 ss:$0x1], $0xffff;
	[tilespmem:s0+$0x10300] =	vst v7  }
0x93: {  	[tilespmem:s0+$0x10280] =	vst v4  }
0x94: {  	[tilespmem:s0+$0x10380] =	vst v5  }
0x95: {  	s3 =	sand.u32 $0x7, s4;
	[tilespmem:s0+$0x10200] =	vst v2  }
0x96: {  	s3 =	sshll.u32 s3, $0x4;
	[tilespmem:s0+$0x10400] =	vst v6  }
0x97: {  	s3 =	sadd.s32 s3, s5;
	[tilespmem:s0+$0x10480] =	vst v8  }
0x98: {  	s19 =	sor.u32 $0x380, s3;
	[tilespmem:s0+$0x10500] =	vst v9  }
0x99: {  	[tilespmem:s19+$0x10200] =	vst v10  }
0x9a: {  	s20 =	simm.s32 $0x0;
	s22 =	simm.s32 $0x0;
	s21 =	rddreg [dreg:$0x7]  }
0x9b: {  	[hbm4b:s21+s20] =	stream.linear.scatter [tilespmem:s26], [sflag:$0x1], $0x4000, $0x200038;
	[tilespmem:$0x18200] =	vst v63  }
0x9c: {  	v10 =	vld.idx.msk [tilespmem:v1+s22+$0x7E0 ss:$0x1], $0xffff  }
0x9d: {  	v5 =	vld.idx.msk [tilespmem:v1+s22+$0x17E0 ss:$0x1], $0xffff  }
0x9e: {  	v4 =	vld.idx.msk [tilespmem:v1+s22+$0x27E0 ss:$0x1], $0xffff  }
0x9f: {  	v6 =	vld.idx.msk [tilespmem:v1+s22+$0x37E0 ss:$0x1], $0xffff  }
0xa0: {  	v8 =	vld.idx.msk [tilespmem:v1+s22+$0x47E0 ss:$0x1], $0xffff  }
0xa1: {  	v9 =	vld.idx.msk [tilespmem:v1+s22+$0x57E0 ss:$0x1], $0xffff  }
0xa2: {  	s23 =	sand.u32 $0x70, s20;
	s24 =	sand.u32 $0x3C00, s20;
	v11 =	vld.idx.msk [tilespmem:v1+s22+$0x67E0 ss:$0x1], $0xffff  }
0xa3: {  	s10 =	simm.s32 $0x10;
	s30 =	sor.u32 s23, s24;
	v3 =	vld.idx.msk [tilespmem:v1+s22+$0x77E0 ss:$0x1], $0xffff  }
0xa4: {  	v2 =	vld.idx.msk [tilespmem:v1+s10+$0x7E0 ss:$0x1], $0xffff;
	[tilespmem:s30+$0x14300] =	vst v4  }
0xa5: {  	v7 =	vld.idx.msk [tilespmem:v1+s10+$0x27E0 ss:$0x1], $0xffff;
	[tilespmem:s30+$0x14280] =	vst v5  }
0xa6: {  	v4 =	vld.idx.msk [tilespmem:v1+s10+$0x17E0 ss:$0x1], $0xffff;
	[tilespmem:s30+$0x14380] =	vst v6  }
0xa7: {  	s0 =	sand.u32 $0x7, s20;
	v5 =	vld.idx.msk [tilespmem:v1+s10+$0x37E0 ss:$0x1], $0xffff;
	[tilespmem:s30+$0x14400] =	vst v8  }
0xa8: {  	s4 =	simm.s32 $0x1;
	s9 =	simm.s32 $0x10;
	s0 =	sshll.u32 s0, $0x4;
	v6 =	vld.idx.msk [tilespmem:v1+s10+$0x47E0 ss:$0x1], $0xffff;
	[tilespmem:s30+$0x14480] =	vst v9  }
0xa9: {  	s5 =	simm.s32 $0x80;
	s3 =	simm.s32 $0x80;
	s12 =	sadd.s32 $0x0, s0;
	v8 =	vld.idx.msk [tilespmem:v1+s10+$0x57E0 ss:$0x1], $0xffff;
	[tilespmem:s30+$0x14500] =	vst v11  }
0xaa: {  	s8 =	sand.u32 $0x3C00, s5;
	s0 =	sand.u32 $0x70, s9;
	s11 =	sor.u32 $0x380, s12;
	v9 =	vld.idx.msk [tilespmem:v1+s10+$0x67E0 ss:$0x1], $0xffff;
	[tilespmem:s30+$0x14200] =	vst v10  }
.LBB2_10:
0xab: {  	s12 =	sor.u32 s0, s8  }
0xac: {  	[tilespmem:s11+$0x14200] =	vst v3;
	v3 =	vld.idx.msk [tilespmem:v1+s10+$0x77E0 ss:$0x1], $0xffff;
	s10 =	sshra.s32 s3, $0x2;
	s0 =	smov.u32 s3;
	s13 =	sadd.s32 $0x40, s3  }
0xad: {  	p0 =	sne.s32 s3, $0x1FC0;
	v10 =	vld.idx.msk [tilespmem:v1+s10+$0x7E0 ss:$0x1], $0xffff;
	[tilespmem:s12+$0x14300] =	vst v7  }
0xae: {  	[tilespmem:s12+$0x14280] =	vst v4;
	v4 =	vld.idx.msk [tilespmem:v1+s10+$0x17E0 ss:$0x1], $0xffff  }
.Ltmp4:
0xaf: {  	v7 =	vld.idx.msk [tilespmem:v1+s10+$0x27E0 ss:$0x1], $0xffff;
	[tilespmem:s12+$0x14380] =	vst v5;
	(pc) =	sbr.rel @p0 .LBB2_10-.Ltmp4, $4  }
0xb0: {  	s0 =	sand.u32 $0x7, s4;
	v5 =	vld.idx.msk [tilespmem:v1+s10+$0x37E0 ss:$0x1], $0xffff;
	[tilespmem:s12+$0x14400] =	vst v6  }
0xb1: {  	s9 =	sadd.s32 $0x10, s9;
	s4 =	sadd.s32 $0x1, s4;
	s0 =	sshll.u32 s0, $0x4;
	v6 =	vld.idx.msk [tilespmem:v1+s10+$0x47E0 ss:$0x1], $0xffff;
	[tilespmem:s12+$0x14480] =	vst v8  }
0xb2: {  	s3 =	sadd.s32 s0, s5;
	s5 =	sadd.s32 $0x80, s5;
	s0 =	sand.u32 $0x70, s9;
	v8 =	vld.idx.msk [tilespmem:v1+s10+$0x57E0 ss:$0x1], $0xffff;
	[tilespmem:s12+$0x14500] =	vst v9  }
0xb3: {  	s8 =	sand.u32 $0x3C00, s5;
	s11 =	sor.u32 $0x380, s3;
	s3 =	smov.u32 s13;
	v9 =	vld.idx.msk [tilespmem:v1+s10+$0x67E0 ss:$0x1], $0xffff;
	[tilespmem:s12+$0x14200] =	vst v2;
	v2 =	vmov v10  }
0xb4: {  	_ =	sdelay $0x2  }
0xb5: {  	s0 =	sor.u32 s0, s8;
	[tilespmem:s11+$0x14200] =	vst v3  }
0xb6: {  	v10 =	vld.idx.msk [tilespmem:v1+s10+$0x77E0 ss:$0x1], $0xffff;
	[tilespmem:s0+$0x14300] =	vst v7  }
0xb7: {  	[tilespmem:s0+$0x14280] =	vst v4  }
0xb8: {  	[tilespmem:s0+$0x14380] =	vst v5  }
0xb9: {  	s3 =	sand.u32 $0x7, s4;
	[tilespmem:s0+$0x14200] =	vst v2  }
0xba: {  	s3 =	sshll.u32 s3, $0x4;
	[tilespmem:s0+$0x14400] =	vst v6  }
0xbb: {  	s3 =	sadd.s32 s3, s5;
	[tilespmem:s0+$0x14480] =	vst v8  }
0xbc: {  	s30 =	sor.u32 $0x380, s3;
	[tilespmem:s0+$0x14500] =	vst v9  }
0xbd: {  	[tilespmem:s30+$0x14200] =	vst v10  }
0xbe: {  	s0 =	rddreg [dreg:$0x8]  }
0xbf: {  	s21 =	rddreg [dreg:$0x12]  }
0xc0: {  	s20 =	rddreg [dreg:$0x11]  }
0xc1: {  	s19 =	rddreg [dreg:$0x10]  }
0xc2: {  	s18 =	rddreg [dreg:$0xf]  }
0xc3: {  	s17 =	rddreg [dreg:$0xe]  }
0xc4: {  	s16 =	rddreg [dreg:$0xd]  }
0xc5: {  	s15 =	rddreg [dreg:$0xc]  }
0xc6: {  	s12 =	simm.s32 $0x0;
	s14 =	rddreg [dreg:$0xb]  }
0xc7: {  	[hbm4b:s0+s31] =	stream.linear.scatter [tilespmem:s28], [sflag:$0x1], $0x4000, $0x200038;
	[tilespmem:$0x18200] =	vst v63  }
.LBB2_12:
0xc8: {  	_ =	swait.ge [sflag:s29], $0x4000  }
0xc9: {  	[sflag:s29] =	ssyncset.done $0x0  }
0xca: {  	s0 =	sadd.s32 $0x0, s14;
	[sflag:s29] =	ssyncadd.s32 $0xFFFFC000  }
0xcb: {  	s0 =	sand.u32 $0x7FFFFFF8, s0;
	v5 =	vld [tilespmem:s15+$0x0]  }
0xcc: {  	v6 =	vld [tilespmem:s0+$0x1200]  }
0xcd: {  	v4 =	vld [tilespmem:s0+$0x2200]  }
0xce: {  	v7 =	vld [tilespmem:s0+$0x3200]  }
0xcf: {  	v8 =	vld [tilespmem:s0+$0x4200]  }
0xd0: {  	v10 =	vld [tilespmem:s0+$0x5200]  }
0xd1: {  	s3 =	sand.u32 $0x70, s31;
	s4 =	sand.u32 $0x3C00, s31;
	v11 =	vld [tilespmem:s0+$0x6200]  }
0xd2: {  	s5 =	sadd.s32 $0x10, s15;
	s8 =	sadd.s32 $0x10, s14;
	s13 =	sor.u32 s3, s4;
	v3 =	vld [tilespmem:s0+$0x7200]  }
0xd3: {  	s10 =	sand.u32 $0x7FFFFFF8, s8;
	v2 =	vld [tilespmem:s5+$0x0];
	[tilespmem:s13+$0x8380] =	vst v7  }
0xd4: {  	v9 =	vld [tilespmem:s10+$0x4200];
	[tilespmem:s13+$0x8300] =	vst v4  }
0xd5: {  	s12 =	sadd.s32 $0x1, s12;
	v7 =	vld [tilespmem:s10+$0x1200];
	[tilespmem:s13+$0x8400] =	vst v8  }
0xd6: {  	s22 =	simm.s32 $0x10;
	s24 =	sand.u32 $0x7, s31;
	s23 =	simm.s32 $0x20;
	v4 =	vld [tilespmem:s10+$0x2200];
	[tilespmem:s13+$0x8280] =	vst v6  }
0xd7: {  	s9 =	simm.s32 $0x1;
	s11 =	sshll.u32 s12, $0x5;
	s3 =	sshll.u32 s24, $0x4;
	v8 =	vld [tilespmem:s10+$0x3200];
	[tilespmem:s13+$0x8480] =	vst v10  }
0xd8: {  	s4 =	sadd.s32 $0x10, s5;
	s30 =	sadd.s32 $0x0, s3;
	s5 =	simm.s32 $0x80;
	v6 =	vld [tilespmem:s10+$0x5200];
	[tilespmem:s13+$0x8200] =	vst v5  }
0xd9: {  	s3 =	sand.u32 $0x70, s22;
	s8 =	sor.u32 $0x380, s30;
	s0 =	sand.u32 $0x3C00, s5;
	v5 =	vld [tilespmem:s10+$0x6200];
	[tilespmem:s13+$0x8500] =	vst v11  }
.LBB2_13:
0xda: {  	s13 =	sadd.s32 s23, s14  }
0xdb: {  	s22 =	sor.u32 s3, s0;
	[tilespmem:s8+$0x8200] =	vst v3;
	v3 =	vld [tilespmem:s10+$0x7200];
	s0 =	smov.u32 s23;
	s30 =	sadd.s32 $0x10, s23  }
0xdc: {  	p0 =	sne.s32 s23, $0x7F0;
	v10 =	vld [tilespmem:s4+$0x0];
	s10 =	sand.u32 $0x7FFFFFF8, s13;
	[tilespmem:s22+$0x8380] =	vst v8  }
0xdd: {  	v11 =	vld [tilespmem:s10+$0x1200];
	[tilespmem:s22+$0x8300] =	vst v4  }
.Ltmp5:
0xde: {  	v4 =	vld [tilespmem:s10+$0x2200];
	[tilespmem:s22+$0x8400] =	vst v9;
	(pc) =	sbr.rel @p0 .LBB2_13-.Ltmp5, $4  }
0xdf: {  	s3 =	sand.u32 $0x7, s9;
	v8 =	vld [tilespmem:s10+$0x3200];
	[tilespmem:s22+$0x8280] =	vst v7  }
0xe0: {  	s9 =	sadd.s32 $0x1, s9;
	s3 =	sshll.u32 s3, $0x4;
	s4 =	sadd.s32 $0x10, s4;
	v9 =	vld [tilespmem:s10+$0x4200];
	[tilespmem:s22+$0x8480] =	vst v6  }
0xe1: {  	s23 =	smov.u32 s30;
	s8 =	sadd.s32 s3, s5;
	s5 =	sadd.s32 $0x80, s5;
	v6 =	vld [tilespmem:s10+$0x5200];
	[tilespmem:s22+$0x8200] =	vst v2;
	v2 =	vmov v10  }
0xe2: {  	s3 =	sand.u32 $0x70, s0;
	s0 =	sand.u32 $0x3C00, s5;
	s8 =	sor.u32 $0x380, s8;
	[tilespmem:s22+$0x8500] =	vst v5;
	v5 =	vld [tilespmem:s10+$0x6200];
	v7 =	vmov v11  }
0xe3: {  	s0 =	sor.u32 s3, s0;
	[tilespmem:s8+$0x8200] =	vst v3  }
0xe4: {  	v10 =	vld [tilespmem:s10+$0x7200];
	[tilespmem:s0+$0x8380] =	vst v8  }
0xe5: {  	[tilespmem:s0+$0x8300] =	vst v4  }
0xe6: {  	[tilespmem:s0+$0x8280] =	vst v7  }
0xe7: {  	s13 =	sand.u32 $0x7, s9;
	[tilespmem:s0+$0x8200] =	vst v2  }
0xe8: {  	s3 =	sshll.u32 s13, $0x4;
	[tilespmem:s0+$0x8400] =	vst v9  }
0xe9: {  	s4 =	sadd.s32 s6, s11;
	s3 =	sadd.s32 s3, s5;
	[tilespmem:s0+$0x8480] =	vst v6  }
0xea: {  	s23 =	sshll.u32 s4, $0x8;
	s22 =	sor.u32 $0x380, s3;
	[tilespmem:s0+$0x8500] =	vst v5  }
0xeb: {  	s30 =	simm.s32 $0x0;
	s8 =	simm.s32 $0x8200;
	s24 =	sadd.s32 s1, s23;
	[tilespmem:s22+$0x8200] =	vst v10  }
0xec: {  	[hbm4b:s24+s30] =	stream.linear.scatter [tilespmem:s8], [sflag:$0x1], $0x4000, $0x200038;
	[tilespmem:$0x18200] =	vst v63  }
0xed: {  	_ =	swait.ge [sflag:s29], $0x4000  }
0xee: {  	[sflag:s29] =	ssyncset.done $0x0  }
0xef: {  	s9 =	sadd.s32 $0x0, s16;
	[sflag:s29] =	ssyncadd.s32 $0xFFFFC000  }
0xf0: {  	s0 =	sand.u32 $0x7FFFFFF0, s9;
	v5 =	vld [tilespmem:s17+$0x0]  }
0xf1: {  	v6 =	vld [tilespmem:s0+$0x1200]  }
0xf2: {  	v4 =	vld [tilespmem:s0+$0x2200]  }
0xf3: {  	v7 =	vld [tilespmem:s0+$0x3200]  }
0xf4: {  	v8 =	vld [tilespmem:s0+$0x4200]  }
0xf5: {  	v10 =	vld [tilespmem:s0+$0x5200]  }
0xf6: {  	s10 =	sand.u32 $0x70, s30;
	s13 =	sand.u32 $0x3C00, s30;
	v11 =	vld [tilespmem:s0+$0x6200]  }
0xf7: {  	s23 =	sadd.s32 $0x10, s16;
	s13 =	sor.u32 s10, s13;
	s22 =	sadd.s32 $0x10, s17;
	v3 =	vld [tilespmem:s0+$0x7200]  }
0xf8: {  	s9 =	sand.u32 $0x7FFFFFF0, s23;
	v2 =	vld [tilespmem:s22+$0x0];
	[tilespmem:s13+$0xC380] =	vst v7  }
0xf9: {  	v9 =	vld [tilespmem:s9+$0x1200];
	[tilespmem:s13+$0xC300] =	vst v4  }
0xfa: {  	v4 =	vld [tilespmem:s9+$0x2200];
	[tilespmem:s13+$0xC400] =	vst v8  }
0xfb: {  	s10 =	sor.u32 $0x8, s11;
	s5 =	simm.s32 $0x1;
	s30 =	sand.u32 $0x7, s30;
	v7 =	vld [tilespmem:s9+$0x3200];
	[tilespmem:s13+$0xC280] =	vst v6  }
0xfc: {  	s3 =	simm.s32 $0x20;
	s24 =	simm.s32 $0x10;
	s4 =	sshll.u32 s30, $0x4;
	v8 =	vld [tilespmem:s9+$0x4200];
	[tilespmem:s13+$0xC480] =	vst v10  }
0xfd: {  	s23 =	sadd.s32 $0x10, s22;
	s22 =	sadd.s32 $0x0, s4;
	s4 =	simm.s32 $0x80;
	v6 =	vld [tilespmem:s9+$0x5200];
	[tilespmem:s13+$0xC200] =	vst v5  }
0xfe: {  	s0 =	sand.u32 $0x70, s24;
	s8 =	sand.u32 $0x3C00, s4;
	v5 =	vld [tilespmem:s9+$0x6200];
	[tilespmem:s13+$0xC500] =	vst v11;
	s13 =	sor.u32 $0x380, s22  }
.LBB2_15:
0xff: {  	s22 =	sadd.s32 s3, s16  }
0x100: {  	s30 =	sor.u32 s0, s8;
	[tilespmem:s13+$0xC200] =	vst v3;
	v3 =	vld [tilespmem:s9+$0x7200];
	s0 =	smov.u32 s3;
	s24 =	sadd.s32 $0x10, s3  }
0x101: {  	p0 =	sne.s32 s3, $0x7F0;
	v10 =	vld [tilespmem:s23+$0x0];
	s9 =	sand.u32 $0x7FFFFFF0, s22;
	[tilespmem:s30+$0xC380] =	vst v7  }
0x102: {  	v11 =	vld [tilespmem:s9+$0x1200];
	[tilespmem:s30+$0xC300] =	vst v4  }
.Ltmp6:
0x103: {  	v4 =	vld [tilespmem:s9+$0x2200];
	[tilespmem:s30+$0xC400] =	vst v8;
	(pc) =	sbr.rel @p0 .LBB2_15-.Ltmp6, $4  }
0x104: {  	s3 =	sand.u32 $0x7, s5;
	v7 =	vld [tilespmem:s9+$0x3200];
	[tilespmem:s30+$0xC280] =	vst v9  }
0x105: {  	s5 =	sadd.s32 $0x1, s5;
	s3 =	sshll.u32 s3, $0x4;
	s23 =	sadd.s32 $0x10, s23;
	v8 =	vld [tilespmem:s9+$0x4200];
	[tilespmem:s30+$0xC480] =	vst v6  }
0x106: {  	s0 =	sand.u32 $0x70, s0;
	s3 =	sadd.s32 s3, s4;
	s4 =	sadd.s32 $0x80, s4;
	v6 =	vld [tilespmem:s9+$0x5200];
	[tilespmem:s30+$0xC200] =	vst v2;
	v2 =	vmov v10  }
0x107: {  	s8 =	sand.u32 $0x3C00, s4;
	s13 =	sor.u32 $0x380, s3;
	s3 =	smov.u32 s24;
	[tilespmem:s30+$0xC500] =	vst v5;
	v5 =	vld [tilespmem:s9+$0x6200];
	v9 =	vmov v11  }
0x108: {  	s0 =	sor.u32 s0, s8;
	[tilespmem:s13+$0xC200] =	vst v3  }
0x109: {  	v10 =	vld [tilespmem:s9+$0x7200];
	[tilespmem:s0+$0xC380] =	vst v7  }
0x10a: {  	[tilespmem:s0+$0xC300] =	vst v4  }
0x10b: {  	[tilespmem:s0+$0xC280] =	vst v9  }
0x10c: {  	s3 =	sand.u32 $0x7, s5;
	[tilespmem:s0+$0xC200] =	vst v2  }
0x10d: {  	s3 =	sshll.u32 s3, $0x4;
	[tilespmem:s0+$0xC400] =	vst v8  }
0x10e: {  	s30 =	sadd.s32 s6, s10;
	s3 =	sadd.s32 s3, s4;
	[tilespmem:s0+$0xC480] =	vst v6  }
0x10f: {  	s4 =	sshll.u32 s30, $0x8;
	s3 =	sor.u32 $0x380, s3;
	[tilespmem:s0+$0xC500] =	vst v5  }
0x110: {  	s8 =	simm.s32 $0x0;
	s5 =	sadd.s32 s1, s4;
	[tilespmem:s3+$0xC200] =	vst v10  }
0x111: {  	[hbm4b:s5+s8] =	stream.linear.scatter [tilespmem:s25], [sflag:$0x1], $0x4000, $0x200038;
	[tilespmem:$0x18200] =	vst v63  }
0x112: {  	_ =	swait.ge [sflag:s29], $0x4000  }
0x113: {  	[sflag:s29] =	ssyncset.done $0x0  }
0x114: {  	s9 =	sadd.s32 $0x0, s18;
	[sflag:s29] =	ssyncadd.s32 $0xFFFFC000  }
0x115: {  	s0 =	sand.u32 $0x7FFFFFF8, s9;
	v5 =	vld [tilespmem:s19+$0x0]  }
0x116: {  	v6 =	vld [tilespmem:s0+$0x1200]  }
0x117: {  	v4 =	vld [tilespmem:s0+$0x2200]  }
0x118: {  	v7 =	vld [tilespmem:s0+$0x3200]  }
0x119: {  	v8 =	vld [tilespmem:s0+$0x4200]  }
0x11a: {  	v10 =	vld [tilespmem:s0+$0x5200]  }
0x11b: {  	s10 =	sand.u32 $0x70, s8;
	s13 =	sand.u32 $0x3C00, s8;
	v11 =	vld [tilespmem:s0+$0x6200]  }
0x11c: {  	s22 =	sadd.s32 $0x10, s19;
	s23 =	sadd.s32 $0x10, s18;
	s13 =	sor.u32 s10, s13;
	v3 =	vld [tilespmem:s0+$0x7200]  }
0x11d: {  	s9 =	sand.u32 $0x7FFFFFF8, s23;
	v2 =	vld [tilespmem:s22+$0x0];
	[tilespmem:s13+$0x10380] =	vst v7  }
0x11e: {  	v9 =	vld [tilespmem:s9+$0x1200];
	[tilespmem:s13+$0x10300] =	vst v4  }
0x11f: {  	v4 =	vld [tilespmem:s9+$0x2200];
	[tilespmem:s13+$0x10400] =	vst v8  }
0x120: {  	s24 =	simm.s32 $0x10;
	s10 =	sor.u32 $0x10, s11;
	s30 =	sand.u32 $0x7, s8;
	v7 =	vld [tilespmem:s9+$0x3200];
	[tilespmem:s13+$0x10280] =	vst v6  }
0x121: {  	s4 =	sshll.u32 s30, $0x4;
	s23 =	sadd.s32 $0x10, s22;
	s3 =	simm.s32 $0x20;
	v8 =	vld [tilespmem:s9+$0x4200];
	[tilespmem:s13+$0x10480] =	vst v10  }
0x122: {  	s5 =	simm.s32 $0x1;
	s22 =	sadd.s32 $0x0, s4;
	s4 =	simm.s32 $0x80;
	v6 =	vld [tilespmem:s9+$0x5200];
	[tilespmem:s13+$0x10200] =	vst v5  }
0x123: {  	s0 =	sand.u32 $0x70, s24;
	s8 =	sand.u32 $0x3C00, s4;
	v5 =	vld [tilespmem:s9+$0x6200];
	[tilespmem:s13+$0x10500] =	vst v11;
	s13 =	sor.u32 $0x380, s22  }
.LBB2_17:
0x124: {  	s22 =	sadd.s32 s3, s18  }
0x125: {  	s24 =	sor.u32 s0, s8;
	[tilespmem:s13+$0x10200] =	vst v3;
	v3 =	vld [tilespmem:s9+$0x7200];
	s0 =	smov.u32 s3;
	s30 =	sadd.s32 $0x10, s3  }
0x126: {  	p0 =	sne.s32 s3, $0x7F0;
	v10 =	vld [tilespmem:s23+$0x0];
	s9 =	sand.u32 $0x7FFFFFF8, s22;
	[tilespmem:s24+$0x10380] =	vst v7  }
0x127: {  	v11 =	vld [tilespmem:s9+$0x1200];
	[tilespmem:s24+$0x10300] =	vst v4  }
.Ltmp7:
0x128: {  	v4 =	vld [tilespmem:s9+$0x2200];
	[tilespmem:s24+$0x10400] =	vst v8;
	(pc) =	sbr.rel @p0 .LBB2_17-.Ltmp7, $4  }
0x129: {  	s3 =	sand.u32 $0x7, s5;
	v7 =	vld [tilespmem:s9+$0x3200];
	[tilespmem:s24+$0x10280] =	vst v9  }
0x12a: {  	s5 =	sadd.s32 $0x1, s5;
	s3 =	sshll.u32 s3, $0x4;
	s23 =	sadd.s32 $0x10, s23;
	v8 =	vld [tilespmem:s9+$0x4200];
	[tilespmem:s24+$0x10480] =	vst v6  }
0x12b: {  	s0 =	sand.u32 $0x70, s0;
	s3 =	sadd.s32 s3, s4;
	s4 =	sadd.s32 $0x80, s4;
	v6 =	vld [tilespmem:s9+$0x5200];
	[tilespmem:s24+$0x10200] =	vst v2;
	v2 =	vmov v10  }
0x12c: {  	s8 =	sand.u32 $0x3C00, s4;
	s13 =	sor.u32 $0x380, s3;
	s3 =	smov.u32 s30;
	[tilespmem:s24+$0x10500] =	vst v5;
	v5 =	vld [tilespmem:s9+$0x6200];
	v9 =	vmov v11  }
0x12d: {  	s0 =	sor.u32 s0, s8;
	[tilespmem:s13+$0x10200] =	vst v3  }
0x12e: {  	v10 =	vld [tilespmem:s9+$0x7200];
	[tilespmem:s0+$0x10380] =	vst v7  }
0x12f: {  	[tilespmem:s0+$0x10300] =	vst v4  }
0x130: {  	[tilespmem:s0+$0x10280] =	vst v9  }
0x131: {  	s3 =	sand.u32 $0x7, s5;
	[tilespmem:s0+$0x10200] =	vst v2  }
0x132: {  	s3 =	sshll.u32 s3, $0x4;
	[tilespmem:s0+$0x10400] =	vst v8  }
0x133: {  	s13 =	sadd.s32 s6, s10;
	s3 =	sadd.s32 s3, s4;
	[tilespmem:s0+$0x10480] =	vst v6  }
0x134: {  	s23 =	sshll.u32 s13, $0x8;
	s22 =	sor.u32 $0x380, s3;
	[tilespmem:s0+$0x10500] =	vst v5  }
0x135: {  	s30 =	simm.s32 $0x0;
	s24 =	sadd.s32 s1, s23;
	[tilespmem:s22+$0x10200] =	vst v10  }
0x136: {  	[hbm4b:s24+s30] =	stream.linear.scatter [tilespmem:s26], [sflag:$0x1], $0x4000, $0x200038;
	[tilespmem:$0x18200] =	vst v63  }
0x137: {  	_ =	swait.ge [sflag:s29], $0x4000  }
0x138: {  	[sflag:s29] =	ssyncset.done $0x0  }
0x139: {  	s8 =	sadd.s32 $0x0, s20;
	[sflag:s29] =	ssyncadd.s32 $0xFFFFC000  }
0x13a: {  	s0 =	sand.u32 $0x7FFFFFF0, s8;
	v5 =	vld [tilespmem:s21+$0x0]  }
0x13b: {  	v6 =	vld [tilespmem:s0+$0x1200]  }
0x13c: {  	v4 =	vld [tilespmem:s0+$0x2200]  }
0x13d: {  	v7 =	vld [tilespmem:s0+$0x3200]  }
0x13e: {  	v8 =	vld [tilespmem:s0+$0x4200]  }
0x13f: {  	v10 =	vld [tilespmem:s0+$0x5200]  }
0x140: {  	s9 =	sand.u32 $0x70, s30;
	s10 =	sand.u32 $0x3C00, s30;
	v11 =	vld [tilespmem:s0+$0x6200]  }
0x141: {  	s13 =	sadd.s32 $0x10, s21;
	s23 =	sor.u32 s9, s10;
	s22 =	sadd.s32 $0x10, s20;
	v3 =	vld [tilespmem:s0+$0x7200]  }
0x142: {  	s9 =	sand.u32 $0x7FFFFFF0, s22;
	v2 =	vld [tilespmem:s13+$0x0];
	[tilespmem:s23+$0x14380] =	vst v7  }
0x143: {  	v9 =	vld [tilespmem:s9+$0x1200];
	[tilespmem:s23+$0x14300] =	vst v4  }
0x144: {  	v4 =	vld [tilespmem:s9+$0x2200];
	[tilespmem:s23+$0x14400] =	vst v8  }
0x145: {  	s5 =	simm.s32 $0x1;
	s10 =	sor.u32 $0x18, s11;
	s30 =	sand.u32 $0x7, s30;
	v7 =	vld [tilespmem:s9+$0x3200];
	[tilespmem:s23+$0x14280] =	vst v6  }
0x146: {  	s11 =	sadd.s32 $0x10, s13;
	s3 =	simm.s32 $0x20;
	s4 =	sshll.u32 s30, $0x4;
	v8 =	vld [tilespmem:s9+$0x4200];
	[tilespmem:s23+$0x14480] =	vst v10  }
0x147: {  	s24 =	simm.s32 $0x10;
	s22 =	sadd.s32 $0x0, s4;
	s4 =	simm.s32 $0x80;
	v6 =	vld [tilespmem:s9+$0x5200];
	[tilespmem:s23+$0x14200] =	vst v5  }
0x148: {  	s8 =	sand.u32 $0x3C00, s4;
	s0 =	sand.u32 $0x70, s24;
	s13 =	sor.u32 $0x380, s22;
	v5 =	vld [tilespmem:s9+$0x6200];
	[tilespmem:s23+$0x14500] =	vst v11  }
.LBB2_19:
0x149: {  	s22 =	sadd.s32 s3, s20  }
0x14a: {  	s23 =	sor.u32 s0, s8;
	[tilespmem:s13+$0x14200] =	vst v3;
	v3 =	vld [tilespmem:s9+$0x7200];
	s0 =	smov.u32 s3;
	s24 =	sadd.s32 $0x10, s3  }
0x14b: {  	p0 =	sne.s32 s3, $0x7F0;
	v10 =	vld [tilespmem:s11+$0x0];
	s9 =	sand.u32 $0x7FFFFFF0, s22;
	[tilespmem:s23+$0x14380] =	vst v7  }
0x14c: {  	v11 =	vld [tilespmem:s9+$0x1200];
	[tilespmem:s23+$0x14300] =	vst v4  }
.Ltmp8:
0x14d: {  	v4 =	vld [tilespmem:s9+$0x2200];
	[tilespmem:s23+$0x14400] =	vst v8;
	(pc) =	sbr.rel @p0 .LBB2_19-.Ltmp8, $4  }
0x14e: {  	s3 =	sand.u32 $0x7, s5;
	v7 =	vld [tilespmem:s9+$0x3200];
	[tilespmem:s23+$0x14280] =	vst v9  }
0x14f: {  	s5 =	sadd.s32 $0x1, s5;
	s3 =	sshll.u32 s3, $0x4;
	s11 =	sadd.s32 $0x10, s11;
	v8 =	vld [tilespmem:s9+$0x4200];
	[tilespmem:s23+$0x14480] =	vst v6  }
0x150: {  	s0 =	sand.u32 $0x70, s0;
	s3 =	sadd.s32 s3, s4;
	s4 =	sadd.s32 $0x80, s4;
	v6 =	vld [tilespmem:s9+$0x5200];
	[tilespmem:s23+$0x14200] =	vst v2;
	v2 =	vmov v10  }
0x151: {  	s8 =	sand.u32 $0x3C00, s4;
	s13 =	sor.u32 $0x380, s3;
	s3 =	smov.u32 s24;
	[tilespmem:s23+$0x14500] =	vst v5;
	v5 =	vld [tilespmem:s9+$0x6200];
	v9 =	vmov v11  }
0x152: {  	s0 =	sor.u32 s0, s8;
	[tilespmem:s13+$0x14200] =	vst v3  }
0x153: {  	v10 =	vld [tilespmem:s9+$0x7200];
	[tilespmem:s0+$0x14380] =	vst v7  }
0x154: {  	[tilespmem:s0+$0x14300] =	vst v4  }
0x155: {  	s3 =	sand.u32 $0x7, s5;
	s22 =	sadd.s32 s6, s10;
	[tilespmem:s0+$0x14280] =	vst v9  }
0x156: {  	s14 =	sadd.s32 $0xFFFFFFE0, s14;
	s15 =	sadd.s32 $0xFFFFFFE0, s15;
	p0 =	sne.s32 s12, $0x1F;
	[tilespmem:s0+$0x14200] =	vst v2  }
.Ltmp9:
0x157: {  	s16 =	sadd.s32 $0xFFFFFFE0, s16;
	s3 =	sshll.u32 s3, $0x4;
	[tilespmem:s0+$0x14400] =	vst v8;
	(pc) =	sbr.rel @p0 .LBB2_12-.Ltmp9, $4  }
0x158: {  	s17 =	sadd.s32 $0xFFFFFFE0, s17;
	s18 =	sadd.s32 $0xFFFFFFE0, s18;
	s3 =	sadd.s32 s3, s4;
	[tilespmem:s0+$0x14480] =	vst v6  }
0x159: {  	s19 =	sadd.s32 $0xFFFFFFE0, s19;
	s24 =	sshll.u32 s22, $0x8;
	s23 =	sor.u32 $0x380, s3;
	[tilespmem:s0+$0x14500] =	vst v5  }
0x15a: {  	s20 =	sadd.s32 $0xFFFFFFE0, s20;
	s21 =	sadd.s32 $0xFFFFFFE0, s21;
	s30 =	sadd.s32 s1, s24;
	[tilespmem:s23+$0x14200] =	vst v10  }
0x15b: {  	[hbm4b:s30+s2] =	stream.linear.scatter [tilespmem:s28], [sflag:$0x1], $0x4000, $0x200038;
	[tilespmem:$0x18200] =	vst v63  }
0x15c: {  	_ =	swait.ge [sflag:s29], $0x4000  }
0x15d: {  	[sflag:s29] =	ssyncset.done $0x0  }
0x15e: {  	[sflag:s29] =	ssyncadd.s32 $0xFFFFC000  }
0x15f: {  	_ =	swait.ge [sflag:s29], $0x4000  }
0x160: {  	[sflag:s29] =	ssyncset.done $0x0  }
0x161: {  	[sflag:s29] =	ssyncadd.s32 $0xFFFFC000  }
0x162: {  	_ =	swait.ge [sflag:s29], $0x4000  }
0x163: {  	[sflag:s29] =	ssyncset.done $0x0  }
0x164: {  	[sflag:s29] =	ssyncadd.s32 $0xFFFFC000  }
0x165: {  	_ =	swait.ge [sflag:s29], $0x4000  }
0x166: {  	s3 =	rddreg [dreg:$0x13]  }
0x167: {  	s0 =	rddreg [dreg:$0x9];
	s3 =	sadd.s32 $0x1, s3  }
0x168: {  	p0 =	sne.s32 s3, s0  }
.Ltmp10:
0x169: {  	_ = 	snop;
	(pc) =	sbr.rel @p0 .LBB2_1-.Ltmp10, $4  }
0x16a: {  	_ = 	snop  }
0x16b: {  	[sflag:s29] =	ssyncset.done $0x0  }
0x16c: {  	[sflag:s29] =	ssyncadd.s32 $0xFFFFC000  }
0x16d: {  	_ =	strace $0x90000049  }
0x16e: {  	_ =	sfence.sel $0x180000  }
0x16f: {  	[bflag:$0x0] =	sbarrier.arrive $0xFFFF  }
0x170: {  	_ =	strace $0x90000047  }
0x171: {  	s0 =	stileid.u32;
	[bflag:$0x2] =	sbarrier.arrive $0xFFFF  }
0x172: {  	p0 =	sne.s32 s0, $0x0;
	s0 =	rddreg [dreg:$0x2]  }
0x173: {  	s0 =	sadd.s32 @!p0 $0x100000, s0  }
0x174: {  	[sflag:s0] =	ssyncadd.tile.s32 @!p0 $0x1;
	_ =	shalt  }
.Lfunc_end2:
_tile_overlayer_lowered:
.L_overlay_start_2:
0x175: {  	(tag) =	ssettag $0x2  }
0x176: {  	s0 =	rddreg [dreg:$0x0];
	s2 =	stileid.u32  }
0x177: {  	s1 =	rddreg [dreg:$0x1];
	p0 =	sne.s32 s2, $0x0  }
0x178: {  	s3 =	rddreg [dreg:$0x2];
	[bflag:$0x3] =	sbarrier.arrive $0xFFFF;
	s2 =	simm.s32 @!p0 $0x1C02  }
0x179: {  	[timem:s3], [sflag:s2] =	dma.local @!p0 [hbm:s0], s1  }
0x17a: {  	s0 =	simm.s32 @!p0 $0x2  }
0x17b: {  	_ =	swait.ge @!p0 [sflag:s0], s1  }
0x17c: {  	s1 =	ssub.s32 @!p0 $0x0, s1;
	[sflag:s0] =	ssyncset.done @!p0 $0x0  }
0x17d: {  	[sflag:s0] =	ssyncadd.s32 @!p0 s1  }
0x17e: {  	[bflag:$0x3] =	sbarrier.arrive $0xFFFF  }
0x17f: {  	_ =	shalt  }

</sc_bundles>
